<compile_context>
chip_gen: v7x
topology: tpu7x:2x2x1
jax: 0.10.2.dev20260603
libtpu: 0.0.44.dev20260713+nightly
codegen_flags: <defaults>
</compile_context>

<pallas_src>
import jax
import jax.numpy as jnp
from jax import lax
from jax.experimental import pallas as pl
from jax.experimental.pallas import tpu as pltpu
from jax.experimental.pallas import tpu_sc as plsc

N_NODES = 10000
D = 128
N_GRAPHS = 128
NPAD = 10240
NW = 32
CHUNK = 128
CPT = 80
HALF = CPT // 2
EPT = CPT * CHUNK
EPAD = NW * EPT
RPT = NPAD // 16

_MESH = plsc.VectorSubcoreMesh(core_axis_name="c", subcore_axis_name="s")



def _sc_degree_body(dst_hbm, degp_hbm, dst_v, ones_v, zer_v, cnt_sh):
    c = lax.axis_index("c")
    s = lax.axis_index("s")
    wid = c * 16 + s

    @pl.loop(0, RPT // 16)
    def _z(i):
        zer_v[pl.ds(i * 16, 16)] = jnp.zeros((16,), jnp.float32)

    @pl.loop(0, CHUNK // 16)
    def _o(i):
        ones_v[pl.ds(i * 16, 16)] = jnp.ones((16,), jnp.float32)

    pltpu.sync_copy(zer_v, cnt_sh.at[pl.ds(s * RPT, RPT)])
    plsc.subcore_barrier()
    pltpu.sync_copy(dst_hbm.at[wid], dst_v)

    @pl.loop(0, CPT)
    def _scatter(j):
        pltpu.sync_copy(ones_v, cnt_sh.at[dst_v.at[j]], add=True)

    plsc.subcore_barrier()
    pltpu.sync_copy(cnt_sh.at[pl.ds(s * RPT, RPT)],
                    degp_hbm.at[c, pl.ds(s * RPT, RPT)])


_deg_call = pl.kernel(
    _sc_degree_body,
    out_type=jax.ShapeDtypeStruct((2, NPAD), jnp.float32),
    mesh=_MESH,
    scratch_types=[
        pltpu.VMEM((CPT, CHUNK), jnp.int32),
        pltpu.VMEM((CHUNK,), jnp.float32),
        pltpu.VMEM((RPT,), jnp.float32),
        pltpu.VMEM_SHARED((NPAD,), jnp.float32),
    ],
)


def _sc_scatter_body(g_hbm, src_hbm, dst_hbm, aggp_hbm,
                     src_v, dst_v, buf0, buf1, acc_sh, sem0, sem1):
    c = lax.axis_index("c")
    s = lax.axis_index("s")
    wid = c * 16 + s

    @pl.loop(0, CHUNK)
    def _z(i):
        @pl.loop(0, D // 16)
        def _z2(k):
            buf0[i, pl.ds(k * 16, 16)] = jnp.zeros((16,), jnp.float32)

    @pl.loop(0, RPT // CHUNK)
    def _zc(i):
        pltpu.sync_copy(buf0, acc_sh.at[pl.ds(s * RPT + i * CHUNK, CHUNK)])

    plsc.subcore_barrier()

    def _wait(buf, sem):
        pltpu.make_async_copy(g_hbm.at[pl.ds(0, CHUNK)], buf, sem).wait()

    @pl.loop(0, 2)
    def _half(h):
        pltpu.sync_copy(src_hbm.at[wid, pl.ds(h * HALF, HALF)], src_v)
        pltpu.sync_copy(dst_hbm.at[wid, pl.ds(h * HALF, HALF)], dst_v)
        pltpu.async_copy(g_hbm.at[src_v.at[0]], buf0, sem0)

        @pl.loop(0, HALF, step=2)
        def _main(j):
            pltpu.async_copy(g_hbm.at[src_v.at[j + 1]], buf1, sem1)
            _wait(buf0, sem0)
            pltpu.sync_copy(buf0, acc_sh.at[dst_v.at[j]], add=True)

            @pl.when(j + 2 < HALF)
            def _():
                pltpu.async_copy(g_hbm.at[src_v.at[j + 2]], buf0, sem0)

            _wait(buf1, sem1)
            pltpu.sync_copy(buf1, acc_sh.at[dst_v.at[j + 1]], add=True)

    plsc.subcore_barrier()
    pltpu.sync_copy(acc_sh.at[pl.ds(s * RPT, RPT)],
                    aggp_hbm.at[c, pl.ds(s * RPT, RPT)])


_scat_call = pl.kernel(
    _sc_scatter_body,
    out_type=jax.ShapeDtypeStruct((2, NPAD, D), jnp.float32),
    mesh=_MESH,
    scratch_types=[
        pltpu.VMEM((HALF, CHUNK), jnp.int32),
        pltpu.VMEM((HALF, CHUNK), jnp.int32),
        pltpu.VMEM((CHUNK, D), jnp.float32),
        pltpu.VMEM((CHUNK, D), jnp.float32),
        pltpu.VMEM_SHARED((NPAD, D), jnp.float32),
        pltpu.SemaphoreType.DMA,
        pltpu.SemaphoreType.DMA,
    ],
)



R = 1024
GRID = NPAD // R


def _mm_scale_body(x_ref, w_ref, degp_ref, g_ref, dinv_ref):
    deg = degp_ref[0] + degp_ref[1] + 1.0
    dinv = lax.rsqrt(deg)
    h = jnp.dot(x_ref[...], w_ref[...], preferred_element_type=jnp.float32)
    g_ref[...] = h * dinv
    dinv_ref[...] = dinv


_mm_scale = pl.pallas_call(
    _mm_scale_body,
    grid=(GRID,),
    in_specs=[
        pl.BlockSpec((R, D), lambda i: (i, 0)),
        pl.BlockSpec((D, D), lambda i: (0, 0)),
        pl.BlockSpec((2, R, 1), lambda i: (0, i, 0)),
    ],
    out_specs=[
        pl.BlockSpec((R, D), lambda i: (i, 0)),
        pl.BlockSpec((R, 1), lambda i: (i, 0)),
    ],
    out_shape=[
        jax.ShapeDtypeStruct((NPAD, D), jnp.float32),
        jax.ShapeDtypeStruct((NPAD, 1), jnp.float32),
    ],
)


def _post1_body(aggp_ref, g1_ref, dinv_ref, b1_ref, w2_ref, g2_ref):
    dinv = dinv_ref[...]
    msum = (aggp_ref[0] + aggp_ref[1] + g1_ref[...]).astype(jnp.float32)
    t = jnp.maximum(dinv * msum + b1_ref[...], 0.0)
    g2_ref[...] = jnp.dot(t, w2_ref[...],
                          preferred_element_type=jnp.float32) * dinv


_post1 = pl.pallas_call(
    _post1_body,
    grid=(GRID,),
    in_specs=[
        pl.BlockSpec((2, R, D), lambda i: (0, i, 0)),
        pl.BlockSpec((R, D), lambda i: (i, 0)),
        pl.BlockSpec((R, 1), lambda i: (i, 0)),
        pl.BlockSpec((1, D), lambda i: (0, 0)),
        pl.BlockSpec((D, D), lambda i: (0, 0)),
    ],
    out_specs=pl.BlockSpec((R, D), lambda i: (i, 0)),
    out_shape=jax.ShapeDtypeStruct((NPAD, D), jnp.float32),
)


def _post2_body(aggp_ref, g2_ref, dinv_ref, b2_ref, batch_ref, wf_ref, bf_ref,
                sums_ref, cnt_ref, out_ref):
    i = pl.program_id(0)
    msum = (aggp_ref[0] + aggp_ref[1] + g2_ref[...]).astype(jnp.float32)
    t = jnp.maximum(dinv_ref[...] * msum + b2_ref[...], 0.0)
    oh = (batch_ref[...] == lax.broadcasted_iota(jnp.int32, (1, D), 1))
    oh = oh.astype(jnp.float32)
    ss = lax.dot_general(oh, t, (((0,), (0,)), ((), ())),
                         preferred_element_type=jnp.float32)
    cc = lax.dot_general(oh, jnp.ones_like(t), (((0,), (0,)), ((), ())),
                         preferred_element_type=jnp.float32)

    @pl.when(i == 0)
    def _():
        sums_ref[...] = jnp.zeros_like(sums_ref)
        cnt_ref[...] = jnp.zeros_like(cnt_ref)

    sums_ref[...] += ss
    cnt_ref[...] += cc

    @pl.when(i == GRID - 1)
    def _():
        mean = sums_ref[...] / jnp.maximum(cnt_ref[...], 1.0)
        out_ref[...] = jnp.dot(mean, wf_ref[...],
                               preferred_element_type=jnp.float32) + bf_ref[...]


_post2 = pl.pallas_call(
    _post2_body,
    grid=(GRID,),
    in_specs=[
        pl.BlockSpec((2, R, D), lambda i: (0, i, 0)),
        pl.BlockSpec((R, D), lambda i: (i, 0)),
        pl.BlockSpec((R, 1), lambda i: (i, 0)),
        pl.BlockSpec((1, D), lambda i: (0, 0)),
        pl.BlockSpec((R, 1), lambda i: (i, 0)),
        pl.BlockSpec((D, D), lambda i: (0, 0)),
        pl.BlockSpec((1, D), lambda i: (0, 0)),
    ],
    out_specs=[
        pl.BlockSpec((N_GRAPHS, D), lambda i: (0, 0)),
        pl.BlockSpec((N_GRAPHS, D), lambda i: (0, 0)),
        pl.BlockSpec((N_GRAPHS, D), lambda i: (0, 0)),
    ],
    out_shape=[
        jax.ShapeDtypeStruct((N_GRAPHS, D), jnp.float32),
        jax.ShapeDtypeStruct((N_GRAPHS, D), jnp.float32),
        jax.ShapeDtypeStruct((N_GRAPHS, D), jnp.float32),
    ],
)


def kernel(x, edge_index, batch, W1, b1, W2, b2, Wf, bf):
    x = x.astype(jnp.float32)
    src = edge_index[0].astype(jnp.int32)
    dst = edge_index[1].astype(jnp.int32)
    batch = batch.astype(jnp.int32)
    n_cls = Wf.shape[1]

    xp = jnp.pad(x, ((0, NPAD - N_NODES), (0, 0)))
    pad_e = EPAD - src.shape[0]
    pad_idx = jnp.full((pad_e,), N_NODES, jnp.int32)
    srcp = jnp.concatenate([src, pad_idx]).reshape(NW, CPT, CHUNK)
    dstp = jnp.concatenate([dst, pad_idx]).reshape(NW, CPT, CHUNK)
    batchp = jnp.pad(batch, (0, NPAD - N_NODES),
                     constant_values=N_GRAPHS + 7).reshape(NPAD, 1)
    b1r = b1.reshape(1, D)
    b2r = b2.reshape(1, D)
    wfp = jnp.pad(Wf, ((0, 0), (0, D - n_cls)))
    bfp = jnp.pad(bf, (0, D - n_cls)).reshape(1, D)

    degp = _deg_call(dstp).reshape(2, NPAD, 1)
    g1, dinv = _mm_scale(xp, W1, degp)
    agg1 = _scat_call(g1, srcp, dstp)
    g2 = _post1(agg1, g1, dinv, b1r, W2)
    agg2 = _scat_call(g2, srcp, dstp)
    _, _, out = _post2(agg2, g2, dinv, b2r, batchp, wfp, bfp)
    return out[:N_GRAPHS, :n_cls]

# --- scband reference (transcript-rebuilt; emitter-appended) ---
"""Pipeline reference for scband-gcn-45535243272486 (READ-ONLY COPY).

The authoritative reference and input builder live on the scoring server;
editing this copy changes nothing except your own understanding.
"""

import jax, jax.numpy as jnp
import numpy as np
from jax.ops import segment_sum

N_NODES = 10000
N_EDGES = 320000
D_NODE = 128
D_HID = [128, 128]
N_CLASSES = 10
N_GRAPHS = 128


def setup_inputs(seed: int = 0) -> dict:
    key = jax.random.key(seed)
    ks = jax.random.split(key, 10)
    x = jax.random.normal(ks[0], (N_NODES, D_NODE), dtype=jnp.float32)
    edge_index = jax.random.randint(ks[1], (2, N_EDGES), 0, N_NODES, dtype=jnp.int64)
    batch = jnp.sort(jax.random.randint(ks[2], (N_NODES,), 0, N_GRAPHS, dtype=jnp.int64))
    # GCNConv parameters (glorot-style init)
    W1 = jax.random.normal(ks[3], (D_NODE, D_HID[0]), dtype=jnp.float32) * (1.0 / np.sqrt(D_NODE))
    b1 = jnp.zeros((D_HID[0],), dtype=jnp.float32)
    W2 = jax.random.normal(ks[4], (D_HID[0], D_HID[1]), dtype=jnp.float32) * (1.0 / np.sqrt(D_HID[0]))
    b2 = jnp.zeros((D_HID[1],), dtype=jnp.float32)
    Wf = jax.random.normal(ks[5], (D_HID[1], N_CLASSES), dtype=jnp.float32) * (1.0 / np.sqrt(D_HID[1]))
    bf = jnp.zeros((N_CLASSES,), dtype=jnp.float32)
    return {"x": x, "edge_index": edge_index, "batch": batch,
            "W1": W1, "b1": b1, "W2": W2, "b2": b2, "Wf": Wf, "bf": bf}


def _gcn_conv(x, W, b, src, dst, n_nodes):
    # x' = x @ W, then symmetric-normalized aggregation with self loops (PyG GCNConv defaults)
    h = x @ W
    loop = jnp.arange(n_nodes, dtype=src.dtype)
    src2 = jnp.concatenate([src, loop])
    dst2 = jnp.concatenate([dst, loop])
    ones = jnp.ones_like(dst2, dtype=h.dtype)
    deg = segment_sum(ones, dst2, num_segments=n_nodes)
    dinv = jnp.where(deg > 0, 1.0 / jnp.sqrt(deg), 0.0)
    norm = dinv[src2] * dinv[dst2]
    msg = h[src2] * norm[:, None]
    out = segment_sum(msg, dst2, num_segments=n_nodes)
    return out + b


def reference(x, edge_index, batch, W1, b1, W2, b2, Wf, bf):
    src = edge_index[0]
    dst = edge_index[1]
    n = x.shape[0]
    h = jax.nn.relu(_gcn_conv(x, W1, b1, src, dst, n))
    h = jax.nn.relu(_gcn_conv(h, W2, b2, src, dst, n))
    # global mean pool over graphs
    sums = segment_sum(h, batch, num_segments=N_GRAPHS)
    cnts = segment_sum(jnp.ones((n,), dtype=h.dtype), batch, num_segments=N_GRAPHS)
    mean = sums / jnp.maximum(cnts, 1.0)[:, None]
    # dropout is identity in eval mode; final linear
    out = mean @ Wf + bf
    return out

if __name__ == "__main__":
    import jax
    _d = setup_inputs()
    print(jax.jit(kernel)(*tuple(_d.values())))

</pallas_src>

<mosaic_0001>
#map = affine_map<(d0, d1) -> (0, 0)>
#map1 = affine_map<(d0, d1) -> (0, 0, 0)>
module attributes {stable_mosaic.version = 14 : i64} {
  func.func @_sc_scatter_body(%arg0: i32, %arg1: i32, %arg2: memref<10240x128xf32, #tpu.memory_space<hbm>>, %arg3: memref<32x80x128xi32, #tpu.memory_space<hbm>>, %arg4: memref<32x80x128xi32, #tpu.memory_space<hbm>>, %arg5: memref<2x10240x128xf32, #tpu.memory_space<hbm>>, %arg6: memref<40x128xi32, #tpu.memory_space<vmem>>, %arg7: memref<40x128xi32, #tpu.memory_space<vmem>>, %arg8: memref<128x128xf32, #tpu.memory_space<vmem>>, %arg9: memref<128x128xf32, #tpu.memory_space<vmem>>, %arg10: memref<10240x128xf32, #tpu.memory_space<vmem_shared>>, %arg11: memref<!tpu.dma_semaphore, #tpu.memory_space<semaphore_mem>>, %arg12: memref<!tpu.dma_semaphore, #tpu.memory_space<semaphore_mem>>) attributes {dimension_semantics = [#tpu.dimension_semantics<core_parallel>, #tpu.dimension_semantics<subcore_parallel>], iteration_bounds = array<i64: 2, 16>, scalar_prefetch = 0 : i64, scratch_operands = 7 : i64, tpu.core_type = #tpu.core_type<sc_vector_subcore>, window_params = [{transform_indices = #map}, {transform_indices = #map1}, {transform_indices = #map1}, {transform_indices = #map1}]} {
    %mul3A = arith.constant 16 : i32
    %mul3A_0 = arith.muli %arg0, %mul3A : i32
    %add3A = arith.addi %mul3A_0, %arg1 : i32
    %scan3A = arith.constant 0 : i32
    %scan3A_1 = arith.constant 128 : i32
    %scan3A_2 = arith.addi %scan3A, %scan3A_1 : i32
    %scan3A_3 = arith.constant 1 : i32
    scf.for %scan3A_20 = %scan3A to %scan3A_2 step %scan3A_3  : i32 {
      %mul3A_21 = arith.constant 1 : i32
      %mul3A_22 = arith.muli %scan3A_20, %mul3A_21 : i32
      %add3A_23 = arith.constant 0 : i32
      %add3A_24 = arith.addi %add3A_23, %mul3A_22 : i32
      %scan3A_25 = arith.constant 0 : i32
      %scan3A_26 = arith.constant 8 : i32
      %scan3A_27 = arith.addi %scan3A_25, %scan3A_26 : i32
      %scan3A_28 = arith.constant 1 : i32
      scf.for %scan3A_30 = %scan3A_25 to %scan3A_27 step %scan3A_28  : i32 {
        %mul3A_31 = arith.constant 1 : i32
        %mul3A_32 = arith.muli %scan3A_30, %mul3A_31 : i32
        %add3A_33 = arith.constant 0 : i32
        %add3A_34 = arith.addi %add3A_33, %mul3A_32 : i32
        %broadcast_in_dim3A = arith.constant 0.000000e+00 : f32
        %broadcast_in_dim3A_35 = vector.broadcast %broadcast_in_dim3A : f32 to vector<16xf32>
        %mul3A_36 = arith.constant 16 : i32
        %mul3A_37 = arith.muli %add3A_34, %mul3A_36 : i32
        %swap3A = arith.index_cast %add3A_24 : i32 to index
        %swap3A_38 = arith.index_cast %mul3A_37 : i32 to index
        %swap3A_39 = tpu.vector_load %arg8[%swap3A, %swap3A_38] {strides = array<i32>} : memref<128x128xf32, #tpu.memory_space<vmem>>, vector<1x16xf32>,
        %swap3A_40 = vector.shape_cast %swap3A_39 : vector<1x16xf32> to vector<16xf32>
        %swap3A_41 = vector.shape_cast %broadcast_in_dim3A_35 : vector<16xf32> to vector<1x16xf32>
        tpu.vector_store %arg8[%swap3A, %swap3A_38], %swap3A_41 {strides = array<i32>} : memref<128x128xf32, #tpu.memory_space<vmem>>, vector<1x16xf32>,
      }
      %scan3A_29 = arith.constant 8 : i32
    }
    %scan3A_4 = arith.constant 128 : i32
    %scan3A_5 = arith.constant 0 : i32
    %scan3A_6 = arith.constant 5 : i32
    %scan3A_7 = arith.addi %scan3A_5, %scan3A_6 : i32
    %scan3A_8 = arith.constant 1 : i32
    scf.for %scan3A_20 = %scan3A_5 to %scan3A_7 step %scan3A_8  : i32 {
      %mul3A_21 = arith.constant 1 : i32
      %mul3A_22 = arith.muli %scan3A_20, %mul3A_21 : i32
      %add3A_23 = arith.constant 0 : i32
      %add3A_24 = arith.addi %add3A_23, %mul3A_22 : i32
      %mul3A_25 = arith.constant 640 : i32
      %mul3A_26 = arith.muli %arg1, %mul3A_25 : i32
      %mul3A_27 = arith.constant 128 : i32
      %mul3A_28 = arith.muli %add3A_24, %mul3A_27 : i32
      %add3A_29 = arith.addi %mul3A_26, %mul3A_28 : i32
      "tpu.region"() ({
        %run_scoped3A = tpu.sem_alloc : memref<!tpu.dma_semaphore, #tpu.memory_space<semaphore_mem>>
        %dma_start3A = arith.constant 0 : i32
        %dma_start3A_30 = tpu.memref_slice %arg10[%add3A_29, %dma_start3A] : memref<10240x128xf32, #tpu.memory_space<vmem_shared>> -> memref<128x128xf32, #tpu.memory_space<vmem_shared>>
        %dma_start3A_31 = arith.constant 0 : i32
        %dma_start3A_32 = tpu.memref_slice %arg10[%add3A_29, %dma_start3A_31] : memref<10240x128xf32, #tpu.memory_space<vmem_shared>> -> memref<128x128xf32, #tpu.memory_space<vmem_shared>>
        tpu.enqueue_dma source(%arg8 : memref<128x128xf32, #tpu.memory_space<vmem>>) target(%dma_start3A_32 : memref<128x128xf32, #tpu.memory_space<vmem_shared>>) target_semaphore(%run_scoped3A : memref<!tpu.dma_semaphore, #tpu.memory_space<semaphore_mem>>)
        %dma_wait3A = arith.constant 0 : i32
        %dma_wait3A_33 = tpu.memref_slice %arg10[%add3A_29, %dma_wait3A] : memref<10240x128xf32, #tpu.memory_space<vmem_shared>> -> memref<128x128xf32, #tpu.memory_space<vmem_shared>>
        %dma_wait3A_34 = arith.constant 0 : i32
        %dma_wait3A_35 = tpu.memref_slice %arg10[%add3A_29, %dma_wait3A_34] : memref<10240x128xf32, #tpu.memory_space<vmem_shared>> -> memref<128x128xf32, #tpu.memory_space<vmem_shared>>
        tpu.wait_dma2 semaphore(%run_scoped3A : memref<!tpu.dma_semaphore, #tpu.memory_space<semaphore_mem>>) src(%arg8 : memref<128x128xf32, #tpu.memory_space<vmem>>) dst(%dma_wait3A_35 : memref<128x128xf32, #tpu.memory_space<vmem_shared>>)
        tpu.yield
      }) : () -> ()
    }
    %scan3A_9 = arith.constant 5 : i32
    %barrier3A = arith.constant 0 : index
    tpu.barrier barrier_id(%barrier3A)
    %scan3A_10 = arith.constant 0 : i32
    %scan3A_11 = arith.constant 2 : i32
    %scan3A_12 = arith.addi %scan3A_10, %scan3A_11 : i32
    %scan3A_13 = arith.constant 1 : i32
    scf.for %scan3A_20 = %scan3A_10 to %scan3A_12 step %scan3A_13  : i32 {
      %mul3A_21 = arith.constant 1 : i32
      %mul3A_22 = arith.muli %scan3A_20, %mul3A_21 : i32
      %add3A_23 = arith.constant 0 : i32
      %add3A_24 = arith.addi %add3A_23, %mul3A_22 : i32
      %mul3A_25 = arith.constant 40 : i32
      %mul3A_26 = arith.muli %add3A_24, %mul3A_25 : i32
      "tpu.region"() ({
        %run_scoped3A = tpu.sem_alloc : memref<!tpu.dma_semaphore, #tpu.memory_space<semaphore_mem>>
        %dma_start3A_40 = arith.constant 0 : i32
        %dma_start3A_41 = tpu.memref_slice %arg3[%add3A, %mul3A_26, %dma_start3A_40] : memref<32x80x128xi32, #tpu.memory_space<hbm>> -> memref<1x40x128xi32, #tpu.memory_space<hbm>>
        %dma_start3A_42 = tpu.memref_squeeze %dma_start3A_41 : memref<1x40x128xi32, #tpu.memory_space<hbm>> -> memref<40x128xi32, #tpu.memory_space<hbm>>
        %dma_start3A_43 = arith.constant 0 : i32
        %dma_start3A_44 = tpu.memref_slice %arg3[%add3A, %mul3A_26, %dma_start3A_43] : memref<32x80x128xi32, #tpu.memory_space<hbm>> -> memref<1x40x128xi32, #tpu.memory_space<hbm>>
        %dma_start3A_45 = tpu.memref_squeeze %dma_start3A_44 : memref<1x40x128xi32, #tpu.memory_space<hbm>> -> memref<40x128xi32, #tpu.memory_space<hbm>>
        tpu.enqueue_dma source(%dma_start3A_45 : memref<40x128xi32, #tpu.memory_space<hbm>>) target(%arg6 : memref<40x128xi32, #tpu.memory_space<vmem>>) target_semaphore(%run_scoped3A : memref<!tpu.dma_semaphore, #tpu.memory_space<semaphore_mem>>)
        %dma_wait3A = arith.constant 0 : i32
        %dma_wait3A_46 = tpu.memref_slice %arg3[%add3A, %mul3A_26, %dma_wait3A] : memref<32x80x128xi32, #tpu.memory_space<hbm>> -> memref<1x40x128xi32, #tpu.memory_space<hbm>>
        %dma_wait3A_47 = tpu.memref_squeeze %dma_wait3A_46 : memref<1x40x128xi32, #tpu.memory_space<hbm>> -> memref<40x128xi32, #tpu.memory_space<hbm>>
        %dma_wait3A_48 = arith.constant 0 : i32
        %dma_wait3A_49 = tpu.memref_slice %arg3[%add3A, %mul3A_26, %dma_wait3A_48] : memref<32x80x128xi32, #tpu.memory_space<hbm>> -> memref<1x40x128xi32, #tpu.memory_space<hbm>>
        %dma_wait3A_50 = tpu.memref_squeeze %dma_wait3A_49 : memref<1x40x128xi32, #tpu.memory_space<hbm>> -> memref<40x128xi32, #tpu.memory_space<hbm>>
        tpu.wait_dma2 semaphore(%run_scoped3A : memref<!tpu.dma_semaphore, #tpu.memory_space<semaphore_mem>>) src(%dma_wait3A_50 : memref<40x128xi32, #tpu.memory_space<hbm>>) dst(%arg6 : memref<40x128xi32, #tpu.memory_space<vmem>>)
        tpu.yield
      }) : () -> ()
      %mul3A_27 = arith.constant 40 : i32
      %mul3A_28 = arith.muli %add3A_24, %mul3A_27 : i32
      "tpu.region"() ({
        %run_scoped3A = tpu.sem_alloc : memref<!tpu.dma_semaphore, #tpu.memory_space<semaphore_mem>>
        %dma_start3A_40 = arith.constant 0 : i32
        %dma_start3A_41 = tpu.memref_slice %arg4[%add3A, %mul3A_28, %dma_start3A_40] : memref<32x80x128xi32, #tpu.memory_space<hbm>> -> memref<1x40x128xi32, #tpu.memory_space<hbm>>
        %dma_start3A_42 = tpu.memref_squeeze %dma_start3A_41 : memref<1x40x128xi32, #tpu.memory_space<hbm>> -> memref<40x128xi32, #tpu.memory_space<hbm>>
        %dma_start3A_43 = arith.constant 0 : i32
        %dma_start3A_44 = tpu.memref_slice %arg4[%add3A, %mul3A_28, %dma_start3A_43] : memref<32x80x128xi32, #tpu.memory_space<hbm>> -> memref<1x40x128xi32, #tpu.memory_space<hbm>>
        %dma_start3A_45 = tpu.memref_squeeze %dma_start3A_44 : memref<1x40x128xi32, #tpu.memory_space<hbm>> -> memref<40x128xi32, #tpu.memory_space<hbm>>
        tpu.enqueue_dma source(%dma_start3A_45 : memref<40x128xi32, #tpu.memory_space<hbm>>) target(%arg7 : memref<40x128xi32, #tpu.memory_space<vmem>>) target_semaphore(%run_scoped3A : memref<!tpu.dma_semaphore, #tpu.memory_space<semaphore_mem>>)
        %dma_wait3A = arith.constant 0 : i32
        %dma_wait3A_46 = tpu.memref_slice %arg4[%add3A, %mul3A_28, %dma_wait3A] : memref<32x80x128xi32, #tpu.memory_space<hbm>> -> memref<1x40x128xi32, #tpu.memory_space<hbm>>
        %dma_wait3A_47 = tpu.memref_squeeze %dma_wait3A_46 : memref<1x40x128xi32, #tpu.memory_space<hbm>> -> memref<40x128xi32, #tpu.memory_space<hbm>>
        %dma_wait3A_48 = arith.constant 0 : i32
        %dma_wait3A_49 = tpu.memref_slice %arg4[%add3A, %mul3A_28, %dma_wait3A_48] : memref<32x80x128xi32, #tpu.memory_space<hbm>> -> memref<1x40x128xi32, #tpu.memory_space<hbm>>
        %dma_wait3A_50 = tpu.memref_squeeze %dma_wait3A_49 : memref<1x40x128xi32, #tpu.memory_space<hbm>> -> memref<40x128xi32, #tpu.memory_space<hbm>>
        tpu.wait_dma2 semaphore(%run_scoped3A : memref<!tpu.dma_semaphore, #tpu.memory_space<semaphore_mem>>) src(%dma_wait3A_50 : memref<40x128xi32, #tpu.memory_space<hbm>>) dst(%arg7 : memref<40x128xi32, #tpu.memory_space<vmem>>)
        tpu.yield
      }) : () -> ()
      %dma_start3A = arith.constant 0 : i32
      %dma_start3A_29 = arith.constant 0 : i32
      %dma_start3A_30 = tpu.memref_slice %arg6[%dma_start3A, %dma_start3A_29] : memref<40x128xi32, #tpu.memory_space<vmem>> -> memref<1x128xi32, #tpu.memory_space<vmem>>
      %dma_start3A_31 = tpu.memref_squeeze %dma_start3A_30 : memref<1x128xi32, #tpu.memory_space<vmem>> -> memref<128xi32, #tpu.memory_space<vmem>>
      %dma_start3A_32 = arith.constant 0 : i32
      %dma_start3A_33 = arith.constant 0 : i32
      %dma_start3A_34 = tpu.memref_slice %arg2[%dma_start3A_32, %dma_start3A_33] : memref<10240x128xf32, #tpu.memory_space<hbm>> -> memref<10240x128xf32, #tpu.memory_space<hbm>>
      tpu.enqueue_indirect_dma source(%dma_start3A_34 : memref<10240x128xf32, #tpu.memory_space<hbm>>) target(%arg8 : memref<128x128xf32, #tpu.memory_space<vmem>>) offsets(%dma_start3A_31 : memref<128xi32, #tpu.memory_space<vmem>>) semaphore(%arg11 : memref<!tpu.dma_semaphore, #tpu.memory_space<semaphore_mem>>)
      %scan3A_35 = arith.constant 0 : i32
      %scan3A_36 = arith.constant 20 : i32
      %scan3A_37 = arith.addi %scan3A_35, %scan3A_36 : i32
      %scan3A_38 = arith.constant 1 : i32
      scf.for %scan3A_40 = %scan3A_35 to %scan3A_37 step %scan3A_38  : i32 {
        %mul3A_41 = arith.constant 2 : i32
        %mul3A_42 = arith.muli %scan3A_40, %mul3A_41 : i32
        %add3A_43 = arith.constant 0 : i32
        %add3A_44 = arith.addi %add3A_43, %mul3A_42 : i32
        %add3A_45 = arith.constant 1 : i32
        %add3A_46 = arith.addi %add3A_44, %add3A_45 : i32
        %dma_start3A_47 = arith.constant 0 : i32
        %dma_start3A_48 = tpu.memref_slice %arg6[%add3A_46, %dma_start3A_47] : memref<40x128xi32, #tpu.memory_space<vmem>> -> memref<1x128xi32, #tpu.memory_space<vmem>>
        %dma_start3A_49 = tpu.memref_squeeze %dma_start3A_48 : memref<1x128xi32, #tpu.memory_space<vmem>> -> memref<128xi32, #tpu.memory_space<vmem>>
        %dma_start3A_50 = arith.constant 0 : i32
        %dma_start3A_51 = arith.constant 0 : i32
        %dma_start3A_52 = tpu.memref_slice %arg2[%dma_start3A_50, %dma_start3A_51] : memref<10240x128xf32, #tpu.memory_space<hbm>> -> memref<10240x128xf32, #tpu.memory_space<hbm>>
        tpu.enqueue_indirect_dma source(%dma_start3A_52 : memref<10240x128xf32, #tpu.memory_space<hbm>>) target(%arg9 : memref<128x128xf32, #tpu.memory_space<vmem>>) offsets(%dma_start3A_49 : memref<128xi32, #tpu.memory_space<vmem>>) semaphore(%arg12 : memref<!tpu.dma_semaphore, #tpu.memory_space<semaphore_mem>>)
        %dma_wait3A = arith.constant 0 : i32
        %dma_wait3A_53 = arith.constant 0 : i32
        %dma_wait3A_54 = tpu.memref_slice %arg2[%dma_wait3A, %dma_wait3A_53] : memref<10240x128xf32, #tpu.memory_space<hbm>> -> memref<128x128xf32, #tpu.memory_space<hbm>>
        %dma_wait3A_55 = arith.constant 0 : i32
        %dma_wait3A_56 = arith.constant 0 : i32
        %dma_wait3A_57 = tpu.memref_slice %arg2[%dma_wait3A_55, %dma_wait3A_56] : memref<10240x128xf32, #tpu.memory_space<hbm>> -> memref<128x128xf32, #tpu.memory_space<hbm>>
        tpu.wait_dma2 semaphore(%arg11 : memref<!tpu.dma_semaphore, #tpu.memory_space<semaphore_mem>>) src(%dma_wait3A_57 : memref<128x128xf32, #tpu.memory_space<hbm>>) dst(%arg8 : memref<128x128xf32, #tpu.memory_space<vmem>>)
        "tpu.region"() ({
          %run_scoped3A = tpu.sem_alloc : memref<!tpu.dma_semaphore, #tpu.memory_space<semaphore_mem>>
          %dma_start3A_70 = arith.constant 0 : i32
          %dma_start3A_71 = tpu.memref_slice %arg7[%add3A_44, %dma_start3A_70] : memref<40x128xi32, #tpu.memory_space<vmem>> -> memref<1x128xi32, #tpu.memory_space<vmem>>
          %dma_start3A_72 = tpu.memref_squeeze %dma_start3A_71 : memref<1x128xi32, #tpu.memory_space<vmem>> -> memref<128xi32, #tpu.memory_space<vmem>>
          %dma_start3A_73 = arith.constant 0 : i32
          %dma_start3A_74 = arith.constant 0 : i32
          %dma_start3A_75 = tpu.memref_slice %arg10[%dma_start3A_73, %dma_start3A_74] : memref<10240x128xf32, #tpu.memory_space<vmem_shared>> -> memref<10240x128xf32, #tpu.memory_space<vmem_shared>>
          tpu.enqueue_indirect_dma source(%arg8 : memref<128x128xf32, #tpu.memory_space<vmem>>) target(%dma_start3A_75 : memref<10240x128xf32, #tpu.memory_space<vmem_shared>>) offsets(%dma_start3A_72 : memref<128xi32, #tpu.memory_space<vmem>>) semaphore(%run_scoped3A : memref<!tpu.dma_semaphore, #tpu.memory_space<semaphore_mem>>) {add = true}
          %dma_wait3A_76 = arith.constant 0 : i32
          %dma_wait3A_77 = tpu.memref_slice %arg7[%add3A_44, %dma_wait3A_76] : memref<40x128xi32, #tpu.memory_space<vmem>> -> memref<1x128xi32, #tpu.memory_space<vmem>>
          %dma_wait3A_78 = tpu.memref_squeeze %dma_wait3A_77 : memref<1x128xi32, #tpu.memory_space<vmem>> -> memref<128xi32, #tpu.memory_space<vmem>>
          %dma_wait3A_79 = arith.constant 0 : i32
          %dma_wait3A_80 = arith.constant 0 : i32
          %dma_wait3A_81 = tpu.memref_slice %arg10[%dma_wait3A_79, %dma_wait3A_80] : memref<10240x128xf32, #tpu.memory_space<vmem_shared>> -> memref<10240x128xf32, #tpu.memory_space<vmem_shared>>
          tpu.wait_indirect_dma semaphore(%run_scoped3A : memref<!tpu.dma_semaphore, #tpu.memory_space<semaphore_mem>>) src(%arg8 : memref<128x128xf32, #tpu.memory_space<vmem>>) dst(%dma_wait3A_81 : memref<10240x128xf32, #tpu.memory_space<vmem_shared>>)
          tpu.yield
        }) : () -> ()
        %add3A_58 = arith.constant 2 : i32
        %add3A_59 = arith.addi %add3A_44, %add3A_58 : i32
        %lt3A = arith.constant 40 : i32
        %lt3A_60 = arith.cmpi slt, %add3A_59, %lt3A : i32
        %convert_element_type3A = arith.extui %lt3A_60 : i1 to i32
        %cond3A = arith.constant 0 : i32
        %cond3A_61 = arith.cmpi ne, %convert_element_type3A, %cond3A : i32
        scf.if %cond3A_61 {
          %add3A_70 = arith.constant 2 : i32
          %add3A_71 = arith.addi %add3A_44, %add3A_70 : i32
          %dma_start3A_72 = arith.constant 0 : i32
          %dma_start3A_73 = tpu.memref_slice %arg6[%add3A_71, %dma_start3A_72] : memref<40x128xi32, #tpu.memory_space<vmem>> -> memref<1x128xi32, #tpu.memory_space<vmem>>
          %dma_start3A_74 = tpu.memref_squeeze %dma_start3A_73 : memref<1x128xi32, #tpu.memory_space<vmem>> -> memref<128xi32, #tpu.memory_space<vmem>>
          %dma_start3A_75 = arith.constant 0 : i32
          %dma_start3A_76 = arith.constant 0 : i32
          %dma_start3A_77 = tpu.memref_slice %arg2[%dma_start3A_75, %dma_start3A_76] : memref<10240x128xf32, #tpu.memory_space<hbm>> -> memref<10240x128xf32, #tpu.memory_space<hbm>>
          tpu.enqueue_indirect_dma source(%dma_start3A_77 : memref<10240x128xf32, #tpu.memory_space<hbm>>) target(%arg8 : memref<128x128xf32, #tpu.memory_space<vmem>>) offsets(%dma_start3A_74 : memref<128xi32, #tpu.memory_space<vmem>>) semaphore(%arg11 : memref<!tpu.dma_semaphore, #tpu.memory_space<semaphore_mem>>)
        } else {
        }
        %dma_wait3A_62 = arith.constant 0 : i32
        %dma_wait3A_63 = arith.constant 0 : i32
        %dma_wait3A_64 = tpu.memref_slice %arg2[%dma_wait3A_62, %dma_wait3A_63] : memref<10240x128xf32, #tpu.memory_space<hbm>> -> memref<128x128xf32, #tpu.memory_space<hbm>>
        %dma_wait3A_65 = arith.constant 0 : i32
        %dma_wait3A_66 = arith.constant 0 : i32
        %dma_wait3A_67 = tpu.memref_slice %arg2[%dma_wait3A_65, %dma_wait3A_66] : memref<10240x128xf32, #tpu.memory_space<hbm>> -> memref<128x128xf32, #tpu.memory_space<hbm>>
        tpu.wait_dma2 semaphore(%arg12 : memref<!tpu.dma_semaphore, #tpu.memory_space<semaphore_mem>>) src(%dma_wait3A_67 : memref<128x128xf32, #tpu.memory_space<hbm>>) dst(%arg9 : memref<128x128xf32, #tpu.memory_space<vmem>>)
        %add3A_68 = arith.constant 1 : i32
        %add3A_69 = arith.addi %add3A_44, %add3A_68 : i32
        "tpu.region"() ({
          %run_scoped3A = tpu.sem_alloc : memref<!tpu.dma_semaphore, #tpu.memory_space<semaphore_mem>>
          %dma_start3A_70 = arith.constant 0 : i32
          %dma_start3A_71 = tpu.memref_slice %arg7[%add3A_69, %dma_start3A_70] : memref<40x128xi32, #tpu.memory_space<vmem>> -> memref<1x128xi32, #tpu.memory_space<vmem>>
          %dma_start3A_72 = tpu.memref_squeeze %dma_start3A_71 : memref<1x128xi32, #tpu.memory_space<vmem>> -> memref<128xi32, #tpu.memory_space<vmem>>
          %dma_start3A_73 = arith.constant 0 : i32
          %dma_start3A_74 = arith.constant 0 : i32
          %dma_start3A_75 = tpu.memref_slice %arg10[%dma_start3A_73, %dma_start3A_74] : memref<10240x128xf32, #tpu.memory_space<vmem_shared>> -> memref<10240x128xf32, #tpu.memory_space<vmem_shared>>
          tpu.enqueue_indirect_dma source(%arg9 : memref<128x128xf32, #tpu.memory_space<vmem>>) target(%dma_start3A_75 : memref<10240x128xf32, #tpu.memory_space<vmem_shared>>) offsets(%dma_start3A_72 : memref<128xi32, #tpu.memory_space<vmem>>) semaphore(%run_scoped3A : memref<!tpu.dma_semaphore, #tpu.memory_space<semaphore_mem>>) {add = true}
          %dma_wait3A_76 = arith.constant 0 : i32
          %dma_wait3A_77 = tpu.memref_slice %arg7[%add3A_69, %dma_wait3A_76] : memref<40x128xi32, #tpu.memory_space<vmem>> -> memref<1x128xi32, #tpu.memory_space<vmem>>
          %dma_wait3A_78 = tpu.memref_squeeze %dma_wait3A_77 : memref<1x128xi32, #tpu.memory_space<vmem>> -> memref<128xi32, #tpu.memory_space<vmem>>
          %dma_wait3A_79 = arith.constant 0 : i32
          %dma_wait3A_80 = arith.constant 0 : i32
          %dma_wait3A_81 = tpu.memref_slice %arg10[%dma_wait3A_79, %dma_wait3A_80] : memref<10240x128xf32, #tpu.memory_space<vmem_shared>> -> memref<10240x128xf32, #tpu.memory_space<vmem_shared>>
          tpu.wait_indirect_dma semaphore(%run_scoped3A : memref<!tpu.dma_semaphore, #tpu.memory_space<semaphore_mem>>) src(%arg9 : memref<128x128xf32, #tpu.memory_space<vmem>>) dst(%dma_wait3A_81 : memref<10240x128xf32, #tpu.memory_space<vmem_shared>>)
          tpu.yield
        }) : () -> ()
      }
      %scan3A_39 = arith.constant 20 : i32
    }
    %scan3A_14 = arith.constant 2 : i32
    %barrier3A_15 = arith.constant 0 : index
    tpu.barrier barrier_id(%barrier3A_15)
    %mul3A_16 = arith.constant 640 : i32
    %mul3A_17 = arith.muli %arg1, %mul3A_16 : i32
    %mul3A_18 = arith.constant 640 : i32
    %mul3A_19 = arith.muli %arg1, %mul3A_18 : i32
    "tpu.region"() ({
      %run_scoped3A = tpu.sem_alloc : memref<!tpu.dma_semaphore, #tpu.memory_space<semaphore_mem>>
      %dma_start3A = arith.constant 0 : i32
      %dma_start3A_20 = tpu.memref_slice %arg5[%arg0, %mul3A_19, %dma_start3A] : memref<2x10240x128xf32, #tpu.memory_space<hbm>> -> memref<1x640x128xf32, #tpu.memory_space<hbm>>
      %dma_start3A_21 = tpu.memref_squeeze %dma_start3A_20 : memref<1x640x128xf32, #tpu.memory_space<hbm>> -> memref<640x128xf32, #tpu.memory_space<hbm>>
      %dma_start3A_22 = arith.constant 0 : i32
      %dma_start3A_23 = tpu.memref_slice %arg10[%mul3A_17, %dma_start3A_22] : memref<10240x128xf32, #tpu.memory_space<vmem_shared>> -> memref<640x128xf32, #tpu.memory_space<vmem_shared>>
      tpu.enqueue_dma source(%dma_start3A_23 : memref<640x128xf32, #tpu.memory_space<vmem_shared>>) target(%dma_start3A_21 : memref<640x128xf32, #tpu.memory_space<hbm>>) target_semaphore(%run_scoped3A : memref<!tpu.dma_semaphore, #tpu.memory_space<semaphore_mem>>)
      %dma_wait3A = arith.constant 0 : i32
      %dma_wait3A_24 = tpu.memref_slice %arg5[%arg0, %mul3A_19, %dma_wait3A] : memref<2x10240x128xf32, #tpu.memory_space<hbm>> -> memref<1x640x128xf32, #tpu.memory_space<hbm>>
      %dma_wait3A_25 = tpu.memref_squeeze %dma_wait3A_24 : memref<1x640x128xf32, #tpu.memory_space<hbm>> -> memref<640x128xf32, #tpu.memory_space<hbm>>
      %dma_wait3A_26 = arith.constant 0 : i32
      %dma_wait3A_27 = tpu.memref_slice %arg10[%mul3A_17, %dma_wait3A_26] : memref<10240x128xf32, #tpu.memory_space<vmem_shared>> -> memref<640x128xf32, #tpu.memory_space<vmem_shared>>
      tpu.wait_dma2 semaphore(%run_scoped3A : memref<!tpu.dma_semaphore, #tpu.memory_space<semaphore_mem>>) src(%dma_wait3A_27 : memref<640x128xf32, #tpu.memory_space<vmem_shared>>) dst(%dma_wait3A_25 : memref<640x128xf32, #tpu.memory_space<hbm>>)
      tpu.yield
    }) : () -> ()
    return
  }
}

#map = affine_map<(d0, d1) -> (0, 0, 0)>
#map1 = affine_map<(d0, d1) -> (0, 0)>
module attributes {stable_mosaic.version = 14 : i64} {
  func.func @_sc_degree_body(%arg0: i32, %arg1: i32, %arg2: memref<32x80x128xi32, #tpu.memory_space<hbm>>, %arg3: memref<2x10240xf32, #tpu.memory_space<hbm>>, %arg4: memref<80x128xi32, #tpu.memory_space<vmem>>, %arg5: memref<128xf32, #tpu.memory_space<vmem>>, %arg6: memref<640xf32, #tpu.memory_space<vmem>>, %arg7: memref<10240xf32, #tpu.memory_space<vmem_shared>>) attributes {dimension_semantics = [#tpu.dimension_semantics<core_parallel>, #tpu.dimension_semantics<subcore_parallel>], iteration_bounds = array<i64: 2, 16>, scalar_prefetch = 0 : i64, scratch_operands = 4 : i64, tpu.core_type = #tpu.core_type<sc_vector_subcore>, window_params = [{transform_indices = #map}, {transform_indices = #map1}]} {
    %mul3A = arith.constant 16 : i32
    %mul3A_0 = arith.muli %arg0, %mul3A : i32
    %add3A = arith.addi %mul3A_0, %arg1 : i32
    %scan3A = arith.constant 0 : i32
    %scan3A_1 = arith.constant 40 : i32
    %scan3A_2 = arith.addi %scan3A, %scan3A_1 : i32
    %scan3A_3 = arith.constant 1 : i32
    scf.for %scan3A_22 = %scan3A to %scan3A_2 step %scan3A_3  : i32 {
      %mul3A_23 = arith.constant 1 : i32
      %mul3A_24 = arith.muli %scan3A_22, %mul3A_23 : i32
      %add3A_25 = arith.constant 0 : i32
      %add3A_26 = arith.addi %add3A_25, %mul3A_24 : i32
      %broadcast_in_dim3A = arith.constant 0.000000e+00 : f32
      %broadcast_in_dim3A_27 = vector.broadcast %broadcast_in_dim3A : f32 to vector<16xf32>
      %mul3A_28 = arith.constant 16 : i32
      %mul3A_29 = arith.muli %add3A_26, %mul3A_28 : i32
      %swap3A = arith.index_cast %mul3A_29 : i32 to index
      %swap3A_30 = tpu.vector_load %arg6[%swap3A] {strides = array<i32>} : memref<640xf32, #tpu.memory_space<vmem>>, vector<16xf32>,
      %swap3A_31 = vector.shape_cast %swap3A_30 : vector<16xf32> to vector<16xf32>
      %swap3A_32 = vector.shape_cast %broadcast_in_dim3A_27 : vector<16xf32> to vector<16xf32>
      tpu.vector_store %arg6[%swap3A], %swap3A_32 {strides = array<i32>} : memref<640xf32, #tpu.memory_space<vmem>>, vector<16xf32>,
    }
    %scan3A_4 = arith.constant 40 : i32
    %scan3A_5 = arith.constant 0 : i32
    %scan3A_6 = arith.constant 8 : i32
    %scan3A_7 = arith.addi %scan3A_5, %scan3A_6 : i32
    %scan3A_8 = arith.constant 1 : i32
    scf.for %scan3A_22 = %scan3A_5 to %scan3A_7 step %scan3A_8  : i32 {
      %mul3A_23 = arith.constant 1 : i32
      %mul3A_24 = arith.muli %scan3A_22, %mul3A_23 : i32
      %add3A_25 = arith.constant 0 : i32
      %add3A_26 = arith.addi %add3A_25, %mul3A_24 : i32
      %broadcast_in_dim3A = arith.constant 1.000000e+00 : f32
      %broadcast_in_dim3A_27 = vector.broadcast %broadcast_in_dim3A : f32 to vector<16xf32>
      %mul3A_28 = arith.constant 16 : i32
      %mul3A_29 = arith.muli %add3A_26, %mul3A_28 : i32
      %swap3A = arith.index_cast %mul3A_29 : i32 to index
      %swap3A_30 = tpu.vector_load %arg5[%swap3A] {strides = array<i32>} : memref<128xf32, #tpu.memory_space<vmem>>, vector<16xf32>,
      %swap3A_31 = vector.shape_cast %swap3A_30 : vector<16xf32> to vector<16xf32>
      %swap3A_32 = vector.shape_cast %broadcast_in_dim3A_27 : vector<16xf32> to vector<16xf32>
      tpu.vector_store %arg5[%swap3A], %swap3A_32 {strides = array<i32>} : memref<128xf32, #tpu.memory_space<vmem>>, vector<16xf32>,
    }
    %scan3A_9 = arith.constant 8 : i32
    %mul3A_10 = arith.constant 640 : i32
    %mul3A_11 = arith.muli %arg1, %mul3A_10 : i32
    "tpu.region"() ({
      %run_scoped3A = tpu.sem_alloc : memref<!tpu.dma_semaphore, #tpu.memory_space<semaphore_mem>>
      %dma_start3A = tpu.memref_slice %arg7[%mul3A_11] : memref<10240xf32, #tpu.memory_space<vmem_shared>> -> memref<640xf32, #tpu.memory_space<vmem_shared>>
      %dma_start3A_22 = tpu.memref_slice %arg7[%mul3A_11] : memref<10240xf32, #tpu.memory_space<vmem_shared>> -> memref<640xf32, #tpu.memory_space<vmem_shared>>
      tpu.enqueue_dma source(%arg6 : memref<640xf32, #tpu.memory_space<vmem>>) target(%dma_start3A_22 : memref<640xf32, #tpu.memory_space<vmem_shared>>) target_semaphore(%run_scoped3A : memref<!tpu.dma_semaphore, #tpu.memory_space<semaphore_mem>>)
      %dma_wait3A = tpu.memref_slice %arg7[%mul3A_11] : memref<10240xf32, #tpu.memory_space<vmem_shared>> -> memref<640xf32, #tpu.memory_space<vmem_shared>>
      %dma_wait3A_23 = tpu.memref_slice %arg7[%mul3A_11] : memref<10240xf32, #tpu.memory_space<vmem_shared>> -> memref<640xf32, #tpu.memory_space<vmem_shared>>
      tpu.wait_dma2 semaphore(%run_scoped3A : memref<!tpu.dma_semaphore, #tpu.memory_space<semaphore_mem>>) src(%arg6 : memref<640xf32, #tpu.memory_space<vmem>>) dst(%dma_wait3A_23 : memref<640xf32, #tpu.memory_space<vmem_shared>>)
      tpu.yield
    }) : () -> ()
    %barrier3A = arith.constant 0 : index
    tpu.barrier barrier_id(%barrier3A)
    "tpu.region"() ({
      %run_scoped3A = tpu.sem_alloc : memref<!tpu.dma_semaphore, #tpu.memory_space<semaphore_mem>>
      %dma_start3A = arith.constant 0 : i32
      %dma_start3A_22 = arith.constant 0 : i32
      %dma_start3A_23 = tpu.memref_slice %arg2[%add3A, %dma_start3A, %dma_start3A_22] : memref<32x80x128xi32, #tpu.memory_space<hbm>> -> memref<1x80x128xi32, #tpu.memory_space<hbm>>
      %dma_start3A_24 = tpu.memref_squeeze %dma_start3A_23 : memref<1x80x128xi32, #tpu.memory_space<hbm>> -> memref<80x128xi32, #tpu.memory_space<hbm>>
      %dma_start3A_25 = arith.constant 0 : i32
      %dma_start3A_26 = arith.constant 0 : i32
      %dma_start3A_27 = tpu.memref_slice %arg2[%add3A, %dma_start3A_25, %dma_start3A_26] : memref<32x80x128xi32, #tpu.memory_space<hbm>> -> memref<1x80x128xi32, #tpu.memory_space<hbm>>
      %dma_start3A_28 = tpu.memref_squeeze %dma_start3A_27 : memref<1x80x128xi32, #tpu.memory_space<hbm>> -> memref<80x128xi32, #tpu.memory_space<hbm>>
      tpu.enqueue_dma source(%dma_start3A_28 : memref<80x128xi32, #tpu.memory_space<hbm>>) target(%arg4 : memref<80x128xi32, #tpu.memory_space<vmem>>) target_semaphore(%run_scoped3A : memref<!tpu.dma_semaphore, #tpu.memory_space<semaphore_mem>>)
      %dma_wait3A = arith.constant 0 : i32
      %dma_wait3A_29 = arith.constant 0 : i32
      %dma_wait3A_30 = tpu.memref_slice %arg2[%add3A, %dma_wait3A, %dma_wait3A_29] : memref<32x80x128xi32, #tpu.memory_space<hbm>> -> memref<1x80x128xi32, #tpu.memory_space<hbm>>
      %dma_wait3A_31 = tpu.memref_squeeze %dma_wait3A_30 : memref<1x80x128xi32, #tpu.memory_space<hbm>> -> memref<80x128xi32, #tpu.memory_space<hbm>>
      %dma_wait3A_32 = arith.constant 0 : i32
      %dma_wait3A_33 = arith.constant 0 : i32
      %dma_wait3A_34 = tpu.memref_slice %arg2[%add3A, %dma_wait3A_32, %dma_wait3A_33] : memref<32x80x128xi32, #tpu.memory_space<hbm>> -> memref<1x80x128xi32, #tpu.memory_space<hbm>>
      %dma_wait3A_35 = tpu.memref_squeeze %dma_wait3A_34 : memref<1x80x128xi32, #tpu.memory_space<hbm>> -> memref<80x128xi32, #tpu.memory_space<hbm>>
      tpu.wait_dma2 semaphore(%run_scoped3A : memref<!tpu.dma_semaphore, #tpu.memory_space<semaphore_mem>>) src(%dma_wait3A_35 : memref<80x128xi32, #tpu.memory_space<hbm>>) dst(%arg4 : memref<80x128xi32, #tpu.memory_space<vmem>>)
      tpu.yield
    }) : () -> ()
    %scan3A_12 = arith.constant 0 : i32
    %scan3A_13 = arith.constant 80 : i32
    %scan3A_14 = arith.addi %scan3A_12, %scan3A_13 : i32
    %scan3A_15 = arith.constant 1 : i32
    scf.for %scan3A_22 = %scan3A_12 to %scan3A_14 step %scan3A_15  : i32 {
      %mul3A_23 = arith.constant 1 : i32
      %mul3A_24 = arith.muli %scan3A_22, %mul3A_23 : i32
      %add3A_25 = arith.constant 0 : i32
      %add3A_26 = arith.addi %add3A_25, %mul3A_24 : i32
      "tpu.region"() ({
        %run_scoped3A = tpu.sem_alloc : memref<!tpu.dma_semaphore, #tpu.memory_space<semaphore_mem>>
        %dma_start3A = arith.constant 0 : i32
        %dma_start3A_27 = tpu.memref_slice %arg4[%add3A_26, %dma_start3A] : memref<80x128xi32, #tpu.memory_space<vmem>> -> memref<1x128xi32, #tpu.memory_space<vmem>>
        %dma_start3A_28 = tpu.memref_squeeze %dma_start3A_27 : memref<1x128xi32, #tpu.memory_space<vmem>> -> memref<128xi32, #tpu.memory_space<vmem>>
        %dma_start3A_29 = arith.constant 0 : i32
        %dma_start3A_30 = tpu.memref_slice %arg7[%dma_start3A_29] : memref<10240xf32, #tpu.memory_space<vmem_shared>> -> memref<10240xf32, #tpu.memory_space<vmem_shared>>
        tpu.enqueue_indirect_dma source(%arg5 : memref<128xf32, #tpu.memory_space<vmem>>) target(%dma_start3A_30 : memref<10240xf32, #tpu.memory_space<vmem_shared>>) offsets(%dma_start3A_28 : memref<128xi32, #tpu.memory_space<vmem>>) semaphore(%run_scoped3A : memref<!tpu.dma_semaphore, #tpu.memory_space<semaphore_mem>>) {add = true}
        %dma_wait3A = arith.constant 0 : i32
        %dma_wait3A_31 = tpu.memref_slice %arg4[%add3A_26, %dma_wait3A] : memref<80x128xi32, #tpu.memory_space<vmem>> -> memref<1x128xi32, #tpu.memory_space<vmem>>
        %dma_wait3A_32 = tpu.memref_squeeze %dma_wait3A_31 : memref<1x128xi32, #tpu.memory_space<vmem>> -> memref<128xi32, #tpu.memory_space<vmem>>
        %dma_wait3A_33 = arith.constant 0 : i32
        %dma_wait3A_34 = tpu.memref_slice %arg7[%dma_wait3A_33] : memref<10240xf32, #tpu.memory_space<vmem_shared>> -> memref<10240xf32, #tpu.memory_space<vmem_shared>>
        tpu.wait_indirect_dma semaphore(%run_scoped3A : memref<!tpu.dma_semaphore, #tpu.memory_space<semaphore_mem>>) src(%arg5 : memref<128xf32, #tpu.memory_space<vmem>>) dst(%dma_wait3A_34 : memref<10240xf32, #tpu.memory_space<vmem_shared>>)
        tpu.yield
      }) : () -> ()
    }
    %scan3A_16 = arith.constant 80 : i32
    %barrier3A_17 = arith.constant 0 : index
    tpu.barrier barrier_id(%barrier3A_17)
    %mul3A_18 = arith.constant 640 : i32
    %mul3A_19 = arith.muli %arg1, %mul3A_18 : i32
    %mul3A_20 = arith.constant 640 : i32
    %mul3A_21 = arith.muli %arg1, %mul3A_20 : i32
    "tpu.region"() ({
      %run_scoped3A = tpu.sem_alloc : memref<!tpu.dma_semaphore, #tpu.memory_space<semaphore_mem>>
      %dma_start3A = tpu.memref_slice %arg3[%arg0, %mul3A_21] : memref<2x10240xf32, #tpu.memory_space<hbm>> -> memref<1x640xf32, #tpu.memory_space<hbm>>
      %dma_start3A_22 = tpu.memref_squeeze %dma_start3A : memref<1x640xf32, #tpu.memory_space<hbm>> -> memref<640xf32, #tpu.memory_space<hbm>>
      %dma_start3A_23 = tpu.memref_slice %arg7[%mul3A_19] : memref<10240xf32, #tpu.memory_space<vmem_shared>> -> memref<640xf32, #tpu.memory_space<vmem_shared>>
      tpu.enqueue_dma source(%dma_start3A_23 : memref<640xf32, #tpu.memory_space<vmem_shared>>) target(%dma_start3A_22 : memref<640xf32, #tpu.memory_space<hbm>>) target_semaphore(%run_scoped3A : memref<!tpu.dma_semaphore, #tpu.memory_space<semaphore_mem>>)
      %dma_wait3A = tpu.memref_slice %arg3[%arg0, %mul3A_21] : memref<2x10240xf32, #tpu.memory_space<hbm>> -> memref<1x640xf32, #tpu.memory_space<hbm>>
      %dma_wait3A_24 = tpu.memref_squeeze %dma_wait3A : memref<1x640xf32, #tpu.memory_space<hbm>> -> memref<640xf32, #tpu.memory_space<hbm>>
      %dma_wait3A_25 = tpu.memref_slice %arg7[%mul3A_19] : memref<10240xf32, #tpu.memory_space<vmem_shared>> -> memref<640xf32, #tpu.memory_space<vmem_shared>>
      tpu.wait_dma2 semaphore(%run_scoped3A : memref<!tpu.dma_semaphore, #tpu.memory_space<semaphore_mem>>) src(%dma_wait3A_25 : memref<640xf32, #tpu.memory_space<vmem_shared>>) dst(%dma_wait3A_24 : memref<640xf32, #tpu.memory_space<hbm>>)
      tpu.yield
    }) : () -> ()
    return
  }
}

#map = affine_map<(d0, d1) -> (0, 0)>
#map1 = affine_map<(d0, d1) -> (0, 0, 0)>
module attributes {stable_mosaic.version = 14 : i64} {
  func.func @_sc_scatter_body(%arg0: i32, %arg1: i32, %arg2: memref<10240x128xf32, #tpu.memory_space<hbm>>, %arg3: memref<32x80x128xi32, #tpu.memory_space<hbm>>, %arg4: memref<32x80x128xi32, #tpu.memory_space<hbm>>, %arg5: memref<2x10240x128xf32, #tpu.memory_space<hbm>>, %arg6: memref<40x128xi32, #tpu.memory_space<vmem>>, %arg7: memref<40x128xi32, #tpu.memory_space<vmem>>, %arg8: memref<128x128xf32, #tpu.memory_space<vmem>>, %arg9: memref<128x128xf32, #tpu.memory_space<vmem>>, %arg10: memref<10240x128xf32, #tpu.memory_space<vmem_shared>>, %arg11: memref<!tpu.dma_semaphore, #tpu.memory_space<semaphore_mem>>, %arg12: memref<!tpu.dma_semaphore, #tpu.memory_space<semaphore_mem>>) attributes {dimension_semantics = [#tpu.dimension_semantics<core_parallel>, #tpu.dimension_semantics<subcore_parallel>], iteration_bounds = array<i64: 2, 16>, scalar_prefetch = 0 : i64, scratch_operands = 7 : i64, tpu.core_type = #tpu.core_type<sc_vector_subcore>, window_params = [{transform_indices = #map}, {transform_indices = #map1}, {transform_indices = #map1}, {transform_indices = #map1}]} {
    %mul3A = arith.constant 16 : i32
    %mul3A_0 = arith.muli %arg0, %mul3A : i32
    %add3A = arith.addi %mul3A_0, %arg1 : i32
    %scan3A = arith.constant 0 : i32
    %scan3A_1 = arith.constant 128 : i32
    %scan3A_2 = arith.addi %scan3A, %scan3A_1 : i32
    %scan3A_3 = arith.constant 1 : i32
    scf.for %scan3A_20 = %scan3A to %scan3A_2 step %scan3A_3  : i32 {
      %mul3A_21 = arith.constant 1 : i32
      %mul3A_22 = arith.muli %scan3A_20, %mul3A_21 : i32
      %add3A_23 = arith.constant 0 : i32
      %add3A_24 = arith.addi %add3A_23, %mul3A_22 : i32
      %scan3A_25 = arith.constant 0 : i32
      %scan3A_26 = arith.constant 8 : i32
      %scan3A_27 = arith.addi %scan3A_25, %scan3A_26 : i32
      %scan3A_28 = arith.constant 1 : i32
      scf.for %scan3A_30 = %scan3A_25 to %scan3A_27 step %scan3A_28  : i32 {
        %mul3A_31 = arith.constant 1 : i32
        %mul3A_32 = arith.muli %scan3A_30, %mul3A_31 : i32
        %add3A_33 = arith.constant 0 : i32
        %add3A_34 = arith.addi %add3A_33, %mul3A_32 : i32
        %broadcast_in_dim3A = arith.constant 0.000000e+00 : f32
        %broadcast_in_dim3A_35 = vector.broadcast %broadcast_in_dim3A : f32 to vector<16xf32>
        %mul3A_36 = arith.constant 16 : i32
        %mul3A_37 = arith.muli %add3A_34, %mul3A_36 : i32
        %swap3A = arith.index_cast %add3A_24 : i32 to index
        %swap3A_38 = arith.index_cast %mul3A_37 : i32 to index
        %swap3A_39 = tpu.vector_load %arg8[%swap3A, %swap3A_38] {strides = array<i32>} : memref<128x128xf32, #tpu.memory_space<vmem>>, vector<1x16xf32>,
        %swap3A_40 = vector.shape_cast %swap3A_39 : vector<1x16xf32> to vector<16xf32>
        %swap3A_41 = vector.shape_cast %broadcast_in_dim3A_35 : vector<16xf32> to vector<1x16xf32>
        tpu.vector_store %arg8[%swap3A, %swap3A_38], %swap3A_41 {strides = array<i32>} : memref<128x128xf32, #tpu.memory_space<vmem>>, vector<1x16xf32>,
      }
      %scan3A_29 = arith.constant 8 : i32
    }
    %scan3A_4 = arith.constant 128 : i32
    %scan3A_5 = arith.constant 0 : i32
    %scan3A_6 = arith.constant 5 : i32
    %scan3A_7 = arith.addi %scan3A_5, %scan3A_6 : i32
    %scan3A_8 = arith.constant 1 : i32
    scf.for %scan3A_20 = %scan3A_5 to %scan3A_7 step %scan3A_8  : i32 {
      %mul3A_21 = arith.constant 1 : i32
      %mul3A_22 = arith.muli %scan3A_20, %mul3A_21 : i32
      %add3A_23 = arith.constant 0 : i32
      %add3A_24 = arith.addi %add3A_23, %mul3A_22 : i32
      %mul3A_25 = arith.constant 640 : i32
      %mul3A_26 = arith.muli %arg1, %mul3A_25 : i32
      %mul3A_27 = arith.constant 128 : i32
      %mul3A_28 = arith.muli %add3A_24, %mul3A_27 : i32
      %add3A_29 = arith.addi %mul3A_26, %mul3A_28 : i32
      "tpu.region"() ({
        %run_scoped3A = tpu.sem_alloc : memref<!tpu.dma_semaphore, #tpu.memory_space<semaphore_mem>>
        %dma_start3A = arith.constant 0 : i32
        %dma_start3A_30 = tpu.memref_slice %arg10[%add3A_29, %dma_start3A] : memref<10240x128xf32, #tpu.memory_space<vmem_shared>> -> memref<128x128xf32, #tpu.memory_space<vmem_shared>>
        %dma_start3A_31 = arith.constant 0 : i32
        %dma_start3A_32 = tpu.memref_slice %arg10[%add3A_29, %dma_start3A_31] : memref<10240x128xf32, #tpu.memory_space<vmem_shared>> -> memref<128x128xf32, #tpu.memory_space<vmem_shared>>
        tpu.enqueue_dma source(%arg8 : memref<128x128xf32, #tpu.memory_space<vmem>>) target(%dma_start3A_32 : memref<128x128xf32, #tpu.memory_space<vmem_shared>>) target_semaphore(%run_scoped3A : memref<!tpu.dma_semaphore, #tpu.memory_space<semaphore_mem>>)
        %dma_wait3A = arith.constant 0 : i32
        %dma_wait3A_33 = tpu.memref_slice %arg10[%add3A_29, %dma_wait3A] : memref<10240x128xf32, #tpu.memory_space<vmem_shared>> -> memref<128x128xf32, #tpu.memory_space<vmem_shared>>
        %dma_wait3A_34 = arith.constant 0 : i32
        %dma_wait3A_35 = tpu.memref_slice %arg10[%add3A_29, %dma_wait3A_34] : memref<10240x128xf32, #tpu.memory_space<vmem_shared>> -> memref<128x128xf32, #tpu.memory_space<vmem_shared>>
        tpu.wait_dma2 semaphore(%run_scoped3A : memref<!tpu.dma_semaphore, #tpu.memory_space<semaphore_mem>>) src(%arg8 : memref<128x128xf32, #tpu.memory_space<vmem>>) dst(%dma_wait3A_35 : memref<128x128xf32, #tpu.memory_space<vmem_shared>>)
        tpu.yield
      }) : () -> ()
    }
    %scan3A_9 = arith.constant 5 : i32
    %barrier3A = arith.constant 0 : index
    tpu.barrier barrier_id(%barrier3A)
    %scan3A_10 = arith.constant 0 : i32
    %scan3A_11 = arith.constant 2 : i32
    %scan3A_12 = arith.addi %scan3A_10, %scan3A_11 : i32
    %scan3A_13 = arith.constant 1 : i32
    scf.for %scan3A_20 = %scan3A_10 to %scan3A_12 step %scan3A_13  : i32 {
      %mul3A_21 = arith.constant 1 : i32
      %mul3A_22 = arith.muli %scan3A_20, %mul3A_21 : i32
      %add3A_23 = arith.constant 0 : i32
      %add3A_24 = arith.addi %add3A_23, %mul3A_22 : i32
      %mul3A_25 = arith.constant 40 : i32
      %mul3A_26 = arith.muli %add3A_24, %mul3A_25 : i32
      "tpu.region"() ({
        %run_scoped3A = tpu.sem_alloc : memref<!tpu.dma_semaphore, #tpu.memory_space<semaphore_mem>>
        %dma_start3A_40 = arith.constant 0 : i32
        %dma_start3A_41 = tpu.memref_slice %arg3[%add3A, %mul3A_26, %dma_start3A_40] : memref<32x80x128xi32, #tpu.memory_space<hbm>> -> memref<1x40x128xi32, #tpu.memory_space<hbm>>
        %dma_start3A_42 = tpu.memref_squeeze %dma_start3A_41 : memref<1x40x128xi32, #tpu.memory_space<hbm>> -> memref<40x128xi32, #tpu.memory_space<hbm>>
        %dma_start3A_43 = arith.constant 0 : i32
        %dma_start3A_44 = tpu.memref_slice %arg3[%add3A, %mul3A_26, %dma_start3A_43] : memref<32x80x128xi32, #tpu.memory_space<hbm>> -> memref<1x40x128xi32, #tpu.memory_space<hbm>>
        %dma_start3A_45 = tpu.memref_squeeze %dma_start3A_44 : memref<1x40x128xi32, #tpu.memory_space<hbm>> -> memref<40x128xi32, #tpu.memory_space<hbm>>
        tpu.enqueue_dma source(%dma_start3A_45 : memref<40x128xi32, #tpu.memory_space<hbm>>) target(%arg6 : memref<40x128xi32, #tpu.memory_space<vmem>>) target_semaphore(%run_scoped3A : memref<!tpu.dma_semaphore, #tpu.memory_space<semaphore_mem>>)
        %dma_wait3A = arith.constant 0 : i32
        %dma_wait3A_46 = tpu.memref_slice %arg3[%add3A, %mul3A_26, %dma_wait3A] : memref<32x80x128xi32, #tpu.memory_space<hbm>> -> memref<1x40x128xi32, #tpu.memory_space<hbm>>
        %dma_wait3A_47 = tpu.memref_squeeze %dma_wait3A_46 : memref<1x40x128xi32, #tpu.memory_space<hbm>> -> memref<40x128xi32, #tpu.memory_space<hbm>>
        %dma_wait3A_48 = arith.constant 0 : i32
        %dma_wait3A_49 = tpu.memref_slice %arg3[%add3A, %mul3A_26, %dma_wait3A_48] : memref<32x80x128xi32, #tpu.memory_space<hbm>> -> memref<1x40x128xi32, #tpu.memory_space<hbm>>
        %dma_wait3A_50 = tpu.memref_squeeze %dma_wait3A_49 : memref<1x40x128xi32, #tpu.memory_space<hbm>> -> memref<40x128xi32, #tpu.memory_space<hbm>>
        tpu.wait_dma2 semaphore(%run_scoped3A : memref<!tpu.dma_semaphore, #tpu.memory_space<semaphore_mem>>) src(%dma_wait3A_50 : memref<40x128xi32, #tpu.memory_space<hbm>>) dst(%arg6 : memref<40x128xi32, #tpu.memory_space<vmem>>)
        tpu.yield
      }) : () -> ()
      %mul3A_27 = arith.constant 40 : i32
      %mul3A_28 = arith.muli %add3A_24, %mul3A_27 : i32
      "tpu.region"() ({
        %run_scoped3A = tpu.sem_alloc : memref<!tpu.dma_semaphore, #tpu.memory_space<semaphore_mem>>
        %dma_start3A_40 = arith.constant 0 : i32
        %dma_start3A_41 = tpu.memref_slice %arg4[%add3A, %mul3A_28, %dma_start3A_40] : memref<32x80x128xi32, #tpu.memory_space<hbm>> -> memref<1x40x128xi32, #tpu.memory_space<hbm>>
        %dma_start3A_42 = tpu.memref_squeeze %dma_start3A_41 : memref<1x40x128xi32, #tpu.memory_space<hbm>> -> memref<40x128xi32, #tpu.memory_space<hbm>>
        %dma_start3A_43 = arith.constant 0 : i32
        %dma_start3A_44 = tpu.memref_slice %arg4[%add3A, %mul3A_28, %dma_start3A_43] : memref<32x80x128xi32, #tpu.memory_space<hbm>> -> memref<1x40x128xi32, #tpu.memory_space<hbm>>
        %dma_start3A_45 = tpu.memref_squeeze %dma_start3A_44 : memref<1x40x128xi32, #tpu.memory_space<hbm>> -> memref<40x128xi32, #tpu.memory_space<hbm>>
        tpu.enqueue_dma source(%dma_start3A_45 : memref<40x128xi32, #tpu.memory_space<hbm>>) target(%arg7 : memref<40x128xi32, #tpu.memory_space<vmem>>) target_semaphore(%run_scoped3A : memref<!tpu.dma_semaphore, #tpu.memory_space<semaphore_mem>>)
        %dma_wait3A = arith.constant 0 : i32
        %dma_wait3A_46 = tpu.memref_slice %arg4[%add3A, %mul3A_28, %dma_wait3A] : memref<32x80x128xi32, #tpu.memory_space<hbm>> -> memref<1x40x128xi32, #tpu.memory_space<hbm>>
        %dma_wait3A_47 = tpu.memref_squeeze %dma_wait3A_46 : memref<1x40x128xi32, #tpu.memory_space<hbm>> -> memref<40x128xi32, #tpu.memory_space<hbm>>
        %dma_wait3A_48 = arith.constant 0 : i32
        %dma_wait3A_49 = tpu.memref_slice %arg4[%add3A, %mul3A_28, %dma_wait3A_48] : memref<32x80x128xi32, #tpu.memory_space<hbm>> -> memref<1x40x128xi32, #tpu.memory_space<hbm>>
        %dma_wait3A_50 = tpu.memref_squeeze %dma_wait3A_49 : memref<1x40x128xi32, #tpu.memory_space<hbm>> -> memref<40x128xi32, #tpu.memory_space<hbm>>
        tpu.wait_dma2 semaphore(%run_scoped3A : memref<!tpu.dma_semaphore, #tpu.memory_space<semaphore_mem>>) src(%dma_wait3A_50 : memref<40x128xi32, #tpu.memory_space<hbm>>) dst(%arg7 : memref<40x128xi32, #tpu.memory_space<vmem>>)
        tpu.yield
      }) : () -> ()
      %dma_start3A = arith.constant 0 : i32
      %dma_start3A_29 = arith.constant 0 : i32
      %dma_start3A_30 = tpu.memref_slice %arg6[%dma_start3A, %dma_start3A_29] : memref<40x128xi32, #tpu.memory_space<vmem>> -> memref<1x128xi32, #tpu.memory_space<vmem>>
      %dma_start3A_31 = tpu.memref_squeeze %dma_start3A_30 : memref<1x128xi32, #tpu.memory_space<vmem>> -> memref<128xi32, #tpu.memory_space<vmem>>
      %dma_start3A_32 = arith.constant 0 : i32
      %dma_start3A_33 = arith.constant 0 : i32
      %dma_start3A_34 = tpu.memref_slice %arg2[%dma_start3A_32, %dma_start3A_33] : memref<10240x128xf32, #tpu.memory_space<hbm>> -> memref<10240x128xf32, #tpu.memory_space<hbm>>
      tpu.enqueue_indirect_dma source(%dma_start3A_34 : memref<10240x128xf32, #tpu.memory_space<hbm>>) target(%arg8 : memref<128x128xf32, #tpu.memory_space<vmem>>) offsets(%dma_start3A_31 : memref<128xi32, #tpu.memory_space<vmem>>) semaphore(%arg11 : memref<!tpu.dma_semaphore, #tpu.memory_space<semaphore_mem>>)
      %scan3A_35 = arith.constant 0 : i32
      %scan3A_36 = arith.constant 20 : i32
      %scan3A_37 = arith.addi %scan3A_35, %scan3A_36 : i32
      %scan3A_38 = arith.constant 1 : i32
      scf.for %scan3A_40 = %scan3A_35 to %scan3A_37 step %scan3A_38  : i32 {
        %mul3A_41 = arith.constant 2 : i32
        %mul3A_42 = arith.muli %scan3A_40, %mul3A_41 : i32
        %add3A_43 = arith.constant 0 : i32
        %add3A_44 = arith.addi %add3A_43, %mul3A_42 : i32
        %add3A_45 = arith.constant 1 : i32
        %add3A_46 = arith.addi %add3A_44, %add3A_45 : i32
        %dma_start3A_47 = arith.constant 0 : i32
        %dma_start3A_48 = tpu.memref_slice %arg6[%add3A_46, %dma_start3A_47] : memref<40x128xi32, #tpu.memory_space<vmem>> -> memref<1x128xi32, #tpu.memory_space<vmem>>
        %dma_start3A_49 = tpu.memref_squeeze %dma_start3A_48 : memref<1x128xi32, #tpu.memory_space<vmem>> -> memref<128xi32, #tpu.memory_space<vmem>>
        %dma_start3A_50 = arith.constant 0 : i32
        %dma_start3A_51 = arith.constant 0 : i32
        %dma_start3A_52 = tpu.memref_slice %arg2[%dma_start3A_50, %dma_start3A_51] : memref<10240x128xf32, #tpu.memory_space<hbm>> -> memref<10240x128xf32, #tpu.memory_space<hbm>>
        tpu.enqueue_indirect_dma source(%dma_start3A_52 : memref<10240x128xf32, #tpu.memory_space<hbm>>) target(%arg9 : memref<128x128xf32, #tpu.memory_space<vmem>>) offsets(%dma_start3A_49 : memref<128xi32, #tpu.memory_space<vmem>>) semaphore(%arg12 : memref<!tpu.dma_semaphore, #tpu.memory_space<semaphore_mem>>)
        %dma_wait3A = arith.constant 0 : i32
        %dma_wait3A_53 = arith.constant 0 : i32
        %dma_wait3A_54 = tpu.memref_slice %arg2[%dma_wait3A, %dma_wait3A_53] : memref<10240x128xf32, #tpu.memory_space<hbm>> -> memref<128x128xf32, #tpu.memory_space<hbm>>
        %dma_wait3A_55 = arith.constant 0 : i32
        %dma_wait3A_56 = arith.constant 0 : i32
        %dma_wait3A_57 = tpu.memref_slice %arg2[%dma_wait3A_55, %dma_wait3A_56] : memref<10240x128xf32, #tpu.memory_space<hbm>> -> memref<128x128xf32, #tpu.memory_space<hbm>>
        tpu.wait_dma2 semaphore(%arg11 : memref<!tpu.dma_semaphore, #tpu.memory_space<semaphore_mem>>) src(%dma_wait3A_57 : memref<128x128xf32, #tpu.memory_space<hbm>>) dst(%arg8 : memref<128x128xf32, #tpu.memory_space<vmem>>)
        "tpu.region"() ({
          %run_scoped3A = tpu.sem_alloc : memref<!tpu.dma_semaphore, #tpu.memory_space<semaphore_mem>>
          %dma_start3A_70 = arith.constant 0 : i32
          %dma_start3A_71 = tpu.memref_slice %arg7[%add3A_44, %dma_start3A_70] : memref<40x128xi32, #tpu.memory_space<vmem>> -> memref<1x128xi32, #tpu.memory_space<vmem>>
          %dma_start3A_72 = tpu.memref_squeeze %dma_start3A_71 : memref<1x128xi32, #tpu.memory_space<vmem>> -> memref<128xi32, #tpu.memory_space<vmem>>
          %dma_start3A_73 = arith.constant 0 : i32
          %dma_start3A_74 = arith.constant 0 : i32
          %dma_start3A_75 = tpu.memref_slice %arg10[%dma_start3A_73, %dma_start3A_74] : memref<10240x128xf32, #tpu.memory_space<vmem_shared>> -> memref<10240x128xf32, #tpu.memory_space<vmem_shared>>
          tpu.enqueue_indirect_dma source(%arg8 : memref<128x128xf32, #tpu.memory_space<vmem>>) target(%dma_start3A_75 : memref<10240x128xf32, #tpu.memory_space<vmem_shared>>) offsets(%dma_start3A_72 : memref<128xi32, #tpu.memory_space<vmem>>) semaphore(%run_scoped3A : memref<!tpu.dma_semaphore, #tpu.memory_space<semaphore_mem>>) {add = true}
          %dma_wait3A_76 = arith.constant 0 : i32
          %dma_wait3A_77 = tpu.memref_slice %arg7[%add3A_44, %dma_wait3A_76] : memref<40x128xi32, #tpu.memory_space<vmem>> -> memref<1x128xi32, #tpu.memory_space<vmem>>
          %dma_wait3A_78 = tpu.memref_squeeze %dma_wait3A_77 : memref<1x128xi32, #tpu.memory_space<vmem>> -> memref<128xi32, #tpu.memory_space<vmem>>
          %dma_wait3A_79 = arith.constant 0 : i32
          %dma_wait3A_80 = arith.constant 0 : i32
          %dma_wait3A_81 = tpu.memref_slice %arg10[%dma_wait3A_79, %dma_wait3A_80] : memref<10240x128xf32, #tpu.memory_space<vmem_shared>> -> memref<10240x128xf32, #tpu.memory_space<vmem_shared>>
          tpu.wait_indirect_dma semaphore(%run_scoped3A : memref<!tpu.dma_semaphore, #tpu.memory_space<semaphore_mem>>) src(%arg8 : memref<128x128xf32, #tpu.memory_space<vmem>>) dst(%dma_wait3A_81 : memref<10240x128xf32, #tpu.memory_space<vmem_shared>>)
          tpu.yield
        }) : () -> ()
        %add3A_58 = arith.constant 2 : i32
        %add3A_59 = arith.addi %add3A_44, %add3A_58 : i32
        %lt3A = arith.constant 40 : i32
        %lt3A_60 = arith.cmpi slt, %add3A_59, %lt3A : i32
        %convert_element_type3A = arith.extui %lt3A_60 : i1 to i32
        %cond3A = arith.constant 0 : i32
        %cond3A_61 = arith.cmpi ne, %convert_element_type3A, %cond3A : i32
        scf.if %cond3A_61 {
          %add3A_70 = arith.constant 2 : i32
          %add3A_71 = arith.addi %add3A_44, %add3A_70 : i32
          %dma_start3A_72 = arith.constant 0 : i32
          %dma_start3A_73 = tpu.memref_slice %arg6[%add3A_71, %dma_start3A_72] : memref<40x128xi32, #tpu.memory_space<vmem>> -> memref<1x128xi32, #tpu.memory_space<vmem>>
          %dma_start3A_74 = tpu.memref_squeeze %dma_start3A_73 : memref<1x128xi32, #tpu.memory_space<vmem>> -> memref<128xi32, #tpu.memory_space<vmem>>
          %dma_start3A_75 = arith.constant 0 : i32
          %dma_start3A_76 = arith.constant 0 : i32
          %dma_start3A_77 = tpu.memref_slice %arg2[%dma_start3A_75, %dma_start3A_76] : memref<10240x128xf32, #tpu.memory_space<hbm>> -> memref<10240x128xf32, #tpu.memory_space<hbm>>
          tpu.enqueue_indirect_dma source(%dma_start3A_77 : memref<10240x128xf32, #tpu.memory_space<hbm>>) target(%arg8 : memref<128x128xf32, #tpu.memory_space<vmem>>) offsets(%dma_start3A_74 : memref<128xi32, #tpu.memory_space<vmem>>) semaphore(%arg11 : memref<!tpu.dma_semaphore, #tpu.memory_space<semaphore_mem>>)
        } else {
        }
        %dma_wait3A_62 = arith.constant 0 : i32
        %dma_wait3A_63 = arith.constant 0 : i32
        %dma_wait3A_64 = tpu.memref_slice %arg2[%dma_wait3A_62, %dma_wait3A_63] : memref<10240x128xf32, #tpu.memory_space<hbm>> -> memref<128x128xf32, #tpu.memory_space<hbm>>
        %dma_wait3A_65 = arith.constant 0 : i32
        %dma_wait3A_66 = arith.constant 0 : i32
        %dma_wait3A_67 = tpu.memref_slice %arg2[%dma_wait3A_65, %dma_wait3A_66] : memref<10240x128xf32, #tpu.memory_space<hbm>> -> memref<128x128xf32, #tpu.memory_space<hbm>>
        tpu.wait_dma2 semaphore(%arg12 : memref<!tpu.dma_semaphore, #tpu.memory_space<semaphore_mem>>) src(%dma_wait3A_67 : memref<128x128xf32, #tpu.memory_space<hbm>>) dst(%arg9 : memref<128x128xf32, #tpu.memory_space<vmem>>)
        %add3A_68 = arith.constant 1 : i32
        %add3A_69 = arith.addi %add3A_44, %add3A_68 : i32
        "tpu.region"() ({
          %run_scoped3A = tpu.sem_alloc : memref<!tpu.dma_semaphore, #tpu.memory_space<semaphore_mem>>
          %dma_start3A_70 = arith.constant 0 : i32
          %dma_start3A_71 = tpu.memref_slice %arg7[%add3A_69, %dma_start3A_70] : memref<40x128xi32, #tpu.memory_space<vmem>> -> memref<1x128xi32, #tpu.memory_space<vmem>>
          %dma_start3A_72 = tpu.memref_squeeze %dma_start3A_71 : memref<1x128xi32, #tpu.memory_space<vmem>> -> memref<128xi32, #tpu.memory_space<vmem>>
          %dma_start3A_73 = arith.constant 0 : i32
          %dma_start3A_74 = arith.constant 0 : i32
          %dma_start3A_75 = tpu.memref_slice %arg10[%dma_start3A_73, %dma_start3A_74] : memref<10240x128xf32, #tpu.memory_space<vmem_shared>> -> memref<10240x128xf32, #tpu.memory_space<vmem_shared>>
          tpu.enqueue_indirect_dma source(%arg9 : memref<128x128xf32, #tpu.memory_space<vmem>>) target(%dma_start3A_75 : memref<10240x128xf32, #tpu.memory_space<vmem_shared>>) offsets(%dma_start3A_72 : memref<128xi32, #tpu.memory_space<vmem>>) semaphore(%run_scoped3A : memref<!tpu.dma_semaphore, #tpu.memory_space<semaphore_mem>>) {add = true}
          %dma_wait3A_76 = arith.constant 0 : i32
          %dma_wait3A_77 = tpu.memref_slice %arg7[%add3A_69, %dma_wait3A_76] : memref<40x128xi32, #tpu.memory_space<vmem>> -> memref<1x128xi32, #tpu.memory_space<vmem>>
          %dma_wait3A_78 = tpu.memref_squeeze %dma_wait3A_77 : memref<1x128xi32, #tpu.memory_space<vmem>> -> memref<128xi32, #tpu.memory_space<vmem>>
          %dma_wait3A_79 = arith.constant 0 : i32
          %dma_wait3A_80 = arith.constant 0 : i32
          %dma_wait3A_81 = tpu.memref_slice %arg10[%dma_wait3A_79, %dma_wait3A_80] : memref<10240x128xf32, #tpu.memory_space<vmem_shared>> -> memref<10240x128xf32, #tpu.memory_space<vmem_shared>>
          tpu.wait_indirect_dma semaphore(%run_scoped3A : memref<!tpu.dma_semaphore, #tpu.memory_space<semaphore_mem>>) src(%arg9 : memref<128x128xf32, #tpu.memory_space<vmem>>) dst(%dma_wait3A_81 : memref<10240x128xf32, #tpu.memory_space<vmem_shared>>)
          tpu.yield
        }) : () -> ()
      }
      %scan3A_39 = arith.constant 20 : i32
    }
    %scan3A_14 = arith.constant 2 : i32
    %barrier3A_15 = arith.constant 0 : index
    tpu.barrier barrier_id(%barrier3A_15)
    %mul3A_16 = arith.constant 640 : i32
    %mul3A_17 = arith.muli %arg1, %mul3A_16 : i32
    %mul3A_18 = arith.constant 640 : i32
    %mul3A_19 = arith.muli %arg1, %mul3A_18 : i32
    "tpu.region"() ({
      %run_scoped3A = tpu.sem_alloc : memref<!tpu.dma_semaphore, #tpu.memory_space<semaphore_mem>>
      %dma_start3A = arith.constant 0 : i32
      %dma_start3A_20 = tpu.memref_slice %arg5[%arg0, %mul3A_19, %dma_start3A] : memref<2x10240x128xf32, #tpu.memory_space<hbm>> -> memref<1x640x128xf32, #tpu.memory_space<hbm>>
      %dma_start3A_21 = tpu.memref_squeeze %dma_start3A_20 : memref<1x640x128xf32, #tpu.memory_space<hbm>> -> memref<640x128xf32, #tpu.memory_space<hbm>>
      %dma_start3A_22 = arith.constant 0 : i32
      %dma_start3A_23 = tpu.memref_slice %arg10[%mul3A_17, %dma_start3A_22] : memref<10240x128xf32, #tpu.memory_space<vmem_shared>> -> memref<640x128xf32, #tpu.memory_space<vmem_shared>>
      tpu.enqueue_dma source(%dma_start3A_23 : memref<640x128xf32, #tpu.memory_space<vmem_shared>>) target(%dma_start3A_21 : memref<640x128xf32, #tpu.memory_space<hbm>>) target_semaphore(%run_scoped3A : memref<!tpu.dma_semaphore, #tpu.memory_space<semaphore_mem>>)
      %dma_wait3A = arith.constant 0 : i32
      %dma_wait3A_24 = tpu.memref_slice %arg5[%arg0, %mul3A_19, %dma_wait3A] : memref<2x10240x128xf32, #tpu.memory_space<hbm>> -> memref<1x640x128xf32, #tpu.memory_space<hbm>>
      %dma_wait3A_25 = tpu.memref_squeeze %dma_wait3A_24 : memref<1x640x128xf32, #tpu.memory_space<hbm>> -> memref<640x128xf32, #tpu.memory_space<hbm>>
      %dma_wait3A_26 = arith.constant 0 : i32
      %dma_wait3A_27 = tpu.memref_slice %arg10[%mul3A_17, %dma_wait3A_26] : memref<10240x128xf32, #tpu.memory_space<vmem_shared>> -> memref<640x128xf32, #tpu.memory_space<vmem_shared>>
      tpu.wait_dma2 semaphore(%run_scoped3A : memref<!tpu.dma_semaphore, #tpu.memory_space<semaphore_mem>>) src(%dma_wait3A_27 : memref<640x128xf32, #tpu.memory_space<vmem_shared>>) dst(%dma_wait3A_25 : memref<640x128xf32, #tpu.memory_space<hbm>>)
      tpu.yield
    }) : () -> ()
    return
  }
}

module attributes {stable_mosaic.version = 14 : i64} {
  func.func @_post1_body(%arg0: i32, %arg1: memref<2x1024x128xf32, #tpu.memory_space<vmem>>, %arg2: memref<1024x128xf32, #tpu.memory_space<vmem>>, %arg3: memref<1024x1xf32, #tpu.memory_space<vmem>>, %arg4: memref<1x128xf32, #tpu.memory_space<vmem>>, %arg5: memref<128x128xf32, #tpu.memory_space<vmem>>, %arg6: memref<1024x128xf32, #tpu.memory_space<vmem>>) attributes {dimension_semantics = [#tpu.dimension_semantics<arbitrary>], iteration_bounds = array<i64: 10>, scalar_prefetch = 0 : i64, scratch_operands = 0 : i64, tpu.core_type = #tpu.core_type<tc>, window_params = [{transform_indices = @transform_0, window_bounds = array<i64: 2, 1024, 128>}, {transform_indices = @transform_1, window_bounds = array<i64: 1024, 128>}, {transform_indices = @transform_2, window_bounds = array<i64: 1024, 1>}, {pipeline_mode = #tpu.pipeline_mode<synchronous>, transform_indices = @transform_3, window_bounds = array<i64: 1, 128>}, {pipeline_mode = #tpu.pipeline_mode<synchronous>, transform_indices = @transform_4, window_bounds = array<i64: 128, 128>}, {transform_indices = @transform_5, window_bounds = array<i64: 1024, 128>}]} {
    %get3A = arith.constant 0 : index
    %get3A_0 = arith.constant 0 : index
    %get3A_1 = vector.load %arg3[%get3A, %get3A_0] : memref<1024x1xf32, #tpu.memory_space<vmem>>, vector<1024x1xf32>
    %get3A_2 = arith.constant 0 : index
    %get3A_3 = arith.constant 0 : index
    %get3A_4 = arith.constant 0 : index
    %get3A_5 = vector.load %arg1[%get3A_2, %get3A_3, %get3A_4] : memref<2x1024x128xf32, #tpu.memory_space<vmem>>, vector<1x1024x128xf32>
    %get3A_6 = vector.shape_cast %get3A_5 : vector<1x1024x128xf32> to vector<1024x128xf32>
    %get3A_7 = arith.constant 1 : index
    %get3A_8 = arith.constant 0 : index
    %get3A_9 = arith.constant 0 : index
    %get3A_10 = vector.load %arg1[%get3A_7, %get3A_8, %get3A_9] : memref<2x1024x128xf32, #tpu.memory_space<vmem>>, vector<1x1024x128xf32>
    %get3A_11 = vector.shape_cast %get3A_10 : vector<1x1024x128xf32> to vector<1024x128xf32>
    %add3A = arith.addf %get3A_6, %get3A_11 : vector<1024x128xf32>
    %get3A_12 = arith.constant 0 : index
    %get3A_13 = arith.constant 0 : index
    %get3A_14 = vector.load %arg2[%get3A_12, %get3A_13] : memref<1024x128xf32, #tpu.memory_space<vmem>>, vector<1024x128xf32>
    %add3A_15 = arith.addf %add3A, %get3A_14 : vector<1024x128xf32>
    %mul3A = vector.broadcast %get3A_1 : vector<1024x1xf32> to vector<1024x128xf32>
    %mul3A_16 = arith.mulf %mul3A, %add3A_15 : vector<1024x128xf32>
    %get3A_17 = arith.constant 0 : index
    %get3A_18 = arith.constant 0 : index
    %get3A_19 = vector.load %arg4[%get3A_17, %get3A_18] : memref<1x128xf32, #tpu.memory_space<vmem>>, vector<1x128xf32>
    %add3A_20 = vector.broadcast %get3A_19 : vector<1x128xf32> to vector<1024x128xf32>
    %add3A_21 = arith.addf %mul3A_16, %add3A_20 : vector<1024x128xf32>
    %max3A = arith.constant 0.000000e+00 : f32
    %max3A_22 = vector.broadcast %max3A : f32 to vector<1024x128xf32>
    %max3A_23 = arith.maximumf %add3A_21, %max3A_22 : vector<1024x128xf32>
    %get3A_24 = arith.constant 0 : index
    %get3A_25 = arith.constant 0 : index
    %get3A_26 = vector.load %arg5[%get3A_24, %get3A_25] : memref<128x128xf32, #tpu.memory_space<vmem>>, vector<128x128xf32>
    %dot_general3A = arith.constant dense<0.000000e+00> : vector<1024x128xf32>
    %dot_general3A_27 = tpu.matmul %max3A_23, %get3A_26, %dot_general3A {dimension_numbers = #tpu.dot_dimension_numbers<[1], [0], [0], [1], [0, 0, 1, 1], [], []>, transpose_lhs_hint = false} : vector<1024x128xf32>, vector<128x128xf32>, vector<1024x128xf32> -> vector<1024x128xf32>
    %mul3A_28 = vector.broadcast %get3A_1 : vector<1024x1xf32> to vector<1024x128xf32>
    %mul3A_29 = arith.mulf %dot_general3A_27, %mul3A_28 : vector<1024x128xf32>
    %swap3A = arith.constant 0 : index
    %swap3A_30 = arith.constant 0 : index
    %swap3A_31 = vector.load %arg6[%swap3A, %swap3A_30] : memref<1024x128xf32, #tpu.memory_space<vmem>>, vector<1024x128xf32>
    tpu.vector_store %arg6[%swap3A, %swap3A_30], %mul3A_29 {strides = array<i32>} : memref<1024x128xf32, #tpu.memory_space<vmem>>, vector<1024x128xf32>,
    return
  }
  func.func @transform_0(%arg0: i32) -> (i32, i32, i32) {
    %c0_i32 = arith.constant 0 : i32
    %c0_i32_0 = arith.constant 0 : i32
    %c0_i32_1 = arith.constant 0 : i32
    return %c0_i32, %arg0, %c0_i32_0 : i32, i32, i32
  }
  func.func @transform_1(%arg0: i32) -> (i32, i32) {
    %c0_i32 = arith.constant 0 : i32
    %c0_i32_0 = arith.constant 0 : i32
    return %arg0, %c0_i32 : i32, i32
  }
  func.func @transform_2(%arg0: i32) -> (i32, i32) {
    %c0_i32 = arith.constant 0 : i32
    %c0_i32_0 = arith.constant 0 : i32
    return %arg0, %c0_i32 : i32, i32
  }
  func.func @transform_3(%arg0: i32) -> (i32, i32) {
    %c0_i32 = arith.constant 0 : i32
    %c0_i32_0 = arith.constant 0 : i32
    %c0_i32_1 = arith.constant 0 : i32
    return %c0_i32, %c0_i32_0 : i32, i32
  }
  func.func @transform_4(%arg0: i32) -> (i32, i32) {
    %c0_i32 = arith.constant 0 : i32
    %c0_i32_0 = arith.constant 0 : i32
    %c0_i32_1 = arith.constant 0 : i32
    return %c0_i32, %c0_i32_0 : i32, i32
  }
  func.func @transform_5(%arg0: i32) -> (i32, i32) {
    %c0_i32 = arith.constant 0 : i32
    %c0_i32_0 = arith.constant 0 : i32
    return %arg0, %c0_i32 : i32, i32
  }
}

module attributes {stable_mosaic.version = 14 : i64} {
  func.func @_mm_scale_body(%arg0: i32, %arg1: memref<1024x128xf32, #tpu.memory_space<vmem>>, %arg2: memref<128x128xf32, #tpu.memory_space<vmem>>, %arg3: memref<2x1024x1xf32, #tpu.memory_space<vmem>>, %arg4: memref<1024x128xf32, #tpu.memory_space<vmem>>, %arg5: memref<1024x1xf32, #tpu.memory_space<vmem>>) attributes {dimension_semantics = [#tpu.dimension_semantics<arbitrary>], iteration_bounds = array<i64: 10>, scalar_prefetch = 0 : i64, scratch_operands = 0 : i64, tpu.core_type = #tpu.core_type<tc>, window_params = [{transform_indices = @transform_0, window_bounds = array<i64: 1024, 128>}, {pipeline_mode = #tpu.pipeline_mode<synchronous>, transform_indices = @transform_1, window_bounds = array<i64: 128, 128>}, {transform_indices = @transform_2, window_bounds = array<i64: 2, 1024, 1>}, {transform_indices = @transform_3, window_bounds = array<i64: 1024, 128>}, {transform_indices = @transform_4, window_bounds = array<i64: 1024, 1>}]} {
    %get3A = arith.constant 0 : index
    %get3A_0 = arith.constant 0 : index
    %get3A_1 = arith.constant 0 : index
    %get3A_2 = vector.load %arg3[%get3A, %get3A_0, %get3A_1] : memref<2x1024x1xf32, #tpu.memory_space<vmem>>, vector<1x1024x1xf32>
    %get3A_3 = vector.shape_cast %get3A_2 : vector<1x1024x1xf32> to vector<1024x1xf32>
    %get3A_4 = arith.constant 1 : index
    %get3A_5 = arith.constant 0 : index
    %get3A_6 = arith.constant 0 : index
    %get3A_7 = vector.load %arg3[%get3A_4, %get3A_5, %get3A_6] : memref<2x1024x1xf32, #tpu.memory_space<vmem>>, vector<1x1024x1xf32>
    %get3A_8 = vector.shape_cast %get3A_7 : vector<1x1024x1xf32> to vector<1024x1xf32>
    %add3A = arith.addf %get3A_3, %get3A_8 : vector<1024x1xf32>
    %add3A_9 = arith.constant 1.000000e+00 : f32
    %add3A_10 = vector.broadcast %add3A_9 : f32 to vector<1024x1xf32>
    %add3A_11 = arith.addf %add3A, %add3A_10 : vector<1024x1xf32>
    %rsqrt3A = math.rsqrt %add3A_11 : vector<1024x1xf32>
    %get3A_12 = arith.constant 0 : index
    %get3A_13 = arith.constant 0 : index
    %get3A_14 = vector.load %arg1[%get3A_12, %get3A_13] : memref<1024x128xf32, #tpu.memory_space<vmem>>, vector<1024x128xf32>
    %get3A_15 = arith.constant 0 : index
    %get3A_16 = arith.constant 0 : index
    %get3A_17 = vector.load %arg2[%get3A_15, %get3A_16] : memref<128x128xf32, #tpu.memory_space<vmem>>, vector<128x128xf32>
    %dot_general3A = arith.constant dense<0.000000e+00> : vector<1024x128xf32>
    %dot_general3A_18 = tpu.matmul %get3A_14, %get3A_17, %dot_general3A {dimension_numbers = #tpu.dot_dimension_numbers<[1], [0], [0], [1], [0, 0, 1, 1], [], []>, transpose_lhs_hint = false} : vector<1024x128xf32>, vector<128x128xf32>, vector<1024x128xf32> -> vector<1024x128xf32>
    %mul3A = vector.broadcast %rsqrt3A : vector<1024x1xf32> to vector<1024x128xf32>
    %mul3A_19 = arith.mulf %dot_general3A_18, %mul3A : vector<1024x128xf32>
    %swap3A = arith.constant 0 : index
    %swap3A_20 = arith.constant 0 : index
    %swap3A_21 = vector.load %arg4[%swap3A, %swap3A_20] : memref<1024x128xf32, #tpu.memory_space<vmem>>, vector<1024x128xf32>
    tpu.vector_store %arg4[%swap3A, %swap3A_20], %mul3A_19 {strides = array<i32>} : memref<1024x128xf32, #tpu.memory_space<vmem>>, vector<1024x128xf32>,
    %swap3A_22 = arith.constant 0 : index
    %swap3A_23 = arith.constant 0 : index
    %swap3A_24 = vector.load %arg5[%swap3A_22, %swap3A_23] : memref<1024x1xf32, #tpu.memory_space<vmem>>, vector<1024x1xf32>
    tpu.vector_store %arg5[%swap3A_22, %swap3A_23], %rsqrt3A {strides = array<i32>} : memref<1024x1xf32, #tpu.memory_space<vmem>>, vector<1024x1xf32>,
    return
  }
  func.func @transform_0(%arg0: i32) -> (i32, i32) {
    %c0_i32 = arith.constant 0 : i32
    %c0_i32_0 = arith.constant 0 : i32
    return %arg0, %c0_i32 : i32, i32
  }
  func.func @transform_1(%arg0: i32) -> (i32, i32) {
    %c0_i32 = arith.constant 0 : i32
    %c0_i32_0 = arith.constant 0 : i32
    %c0_i32_1 = arith.constant 0 : i32
    return %c0_i32, %c0_i32_0 : i32, i32
  }
  func.func @transform_2(%arg0: i32) -> (i32, i32, i32) {
    %c0_i32 = arith.constant 0 : i32
    %c0_i32_0 = arith.constant 0 : i32
    %c0_i32_1 = arith.constant 0 : i32
    return %c0_i32, %arg0, %c0_i32_0 : i32, i32, i32
  }
  func.func @transform_3(%arg0: i32) -> (i32, i32) {
    %c0_i32 = arith.constant 0 : i32
    %c0_i32_0 = arith.constant 0 : i32
    return %arg0, %c0_i32 : i32, i32
  }
  func.func @transform_4(%arg0: i32) -> (i32, i32) {
    %c0_i32 = arith.constant 0 : i32
    %c0_i32_0 = arith.constant 0 : i32
    return %arg0, %c0_i32 : i32, i32
  }
}

module attributes {stable_mosaic.version = 14 : i64} {
  func.func @_post2_body(%arg0: i32, %arg1: memref<2x1024x128xf32, #tpu.memory_space<vmem>>, %arg2: memref<1024x128xf32, #tpu.memory_space<vmem>>, %arg3: memref<1024x1xf32, #tpu.memory_space<vmem>>, %arg4: memref<1x128xf32, #tpu.memory_space<vmem>>, %arg5: memref<1024x1xi32, #tpu.memory_space<vmem>>, %arg6: memref<128x128xf32, #tpu.memory_space<vmem>>, %arg7: memref<1x128xf32, #tpu.memory_space<vmem>>, %arg8: memref<128x128xf32, #tpu.memory_space<vmem>>, %arg9: memref<128x128xf32, #tpu.memory_space<vmem>>, %arg10: memref<128x128xf32, #tpu.memory_space<vmem>>) attributes {dimension_semantics = [#tpu.dimension_semantics<arbitrary>], iteration_bounds = array<i64: 10>, scalar_prefetch = 0 : i64, scratch_operands = 0 : i64, tpu.core_type = #tpu.core_type<tc>, window_params = [{transform_indices = @transform_0, window_bounds = array<i64: 2, 1024, 128>}, {transform_indices = @transform_1, window_bounds = array<i64: 1024, 128>}, {transform_indices = @transform_2, window_bounds = array<i64: 1024, 1>}, {pipeline_mode = #tpu.pipeline_mode<synchronous>, transform_indices = @transform_3, window_bounds = array<i64: 1, 128>}, {transform_indices = @transform_4, window_bounds = array<i64: 1024, 1>}, {pipeline_mode = #tpu.pipeline_mode<synchronous>, transform_indices = @transform_5, window_bounds = array<i64: 128, 128>}, {pipeline_mode = #tpu.pipeline_mode<synchronous>, transform_indices = @transform_6, window_bounds = array<i64: 1, 128>}, {pipeline_mode = #tpu.pipeline_mode<synchronous>, transform_indices = @transform_7, window_bounds = array<i64: 128, 128>}, {pipeline_mode = #tpu.pipeline_mode<synchronous>, transform_indices = @transform_8, window_bounds = array<i64: 128, 128>}, {pipeline_mode = #tpu.pipeline_mode<synchronous>, transform_indices = @transform_9, window_bounds = array<i64: 128, 128>}]} {
    %get3A = arith.constant 0 : index
    %get3A_0 = arith.constant 0 : index
    %get3A_1 = arith.constant 0 : index
    %get3A_2 = vector.load %arg1[%get3A, %get3A_0, %get3A_1] : memref<2x1024x128xf32, #tpu.memory_space<vmem>>, vector<1x1024x128xf32>
    %get3A_3 = vector.shape_cast %get3A_2 : vector<1x1024x128xf32> to vector<1024x128xf32>
    %get3A_4 = arith.constant 1 : index
    %get3A_5 = arith.constant 0 : index
    %get3A_6 = arith.constant 0 : index
    %get3A_7 = vector.load %arg1[%get3A_4, %get3A_5, %get3A_6] : memref<2x1024x128xf32, #tpu.memory_space<vmem>>, vector<1x1024x128xf32>
    %get3A_8 = vector.shape_cast %get3A_7 : vector<1x1024x128xf32> to vector<1024x128xf32>
    %add3A = arith.addf %get3A_3, %get3A_8 : vector<1024x128xf32>
    %get3A_9 = arith.constant 0 : index
    %get3A_10 = arith.constant 0 : index
    %get3A_11 = vector.load %arg2[%get3A_9, %get3A_10] : memref<1024x128xf32, #tpu.memory_space<vmem>>, vector<1024x128xf32>
    %add3A_12 = arith.addf %add3A, %get3A_11 : vector<1024x128xf32>
    %get3A_13 = arith.constant 0 : index
    %get3A_14 = arith.constant 0 : index
    %get3A_15 = vector.load %arg3[%get3A_13, %get3A_14] : memref<1024x1xf32, #tpu.memory_space<vmem>>, vector<1024x1xf32>
    %mul3A = vector.broadcast %get3A_15 : vector<1024x1xf32> to vector<1024x128xf32>
    %mul3A_16 = arith.mulf %mul3A, %add3A_12 : vector<1024x128xf32>
    %get3A_17 = arith.constant 0 : index
    %get3A_18 = arith.constant 0 : index
    %get3A_19 = vector.load %arg4[%get3A_17, %get3A_18] : memref<1x128xf32, #tpu.memory_space<vmem>>, vector<1x128xf32>
    %add3A_20 = vector.broadcast %get3A_19 : vector<1x128xf32> to vector<1024x128xf32>
    %add3A_21 = arith.addf %mul3A_16, %add3A_20 : vector<1024x128xf32>
    %max3A = arith.constant 0.000000e+00 : f32
    %max3A_22 = vector.broadcast %max3A : f32 to vector<1024x128xf32>
    %max3A_23 = arith.maximumf %add3A_21, %max3A_22 : vector<1024x128xf32>
    %get3A_24 = arith.constant 0 : index
    %get3A_25 = arith.constant 0 : index
    %get3A_26 = vector.load %arg5[%get3A_24, %get3A_25] : memref<1024x1xi32, #tpu.memory_space<vmem>>, vector<1024x1xi32>
    %iota3A = tpu.iota {dimensions = array<i32: 1>} : vector<1x128xi32>
    %eq3A = vector.broadcast %get3A_26 : vector<1024x1xi32> to vector<1024x128xi32>
    %eq3A_27 = vector.broadcast %iota3A : vector<1x128xi32> to vector<1024x128xi32>
    %eq3A_28 = arith.cmpi eq, %eq3A, %eq3A_27 : vector<1024x128xi32>
    %convert_element_type3A = arith.extui %eq3A_28 : vector<1024x128xi1> to vector<1024x128xi32>
    %convert_element_type3A_29 = arith.sitofp %convert_element_type3A : vector<1024x128xi32> to vector<1024x128xf32>
    %dot_general3A = arith.constant dense<0.000000e+00> : vector<128x128xf32>
    %dot_general3A_30 = tpu.matmul %convert_element_type3A_29, %max3A_23, %dot_general3A {dimension_numbers = #tpu.dot_dimension_numbers<[0], [0], [1], [1], [0, 1, 1, 1], [], []>, transpose_lhs_hint = false} : vector<1024x128xf32>, vector<1024x128xf32>, vector<128x128xf32> -> vector<128x128xf32>
    %broadcast_in_dim3A = arith.constant 1.000000e+00 : f32
    %broadcast_in_dim3A_31 = vector.broadcast %broadcast_in_dim3A : f32 to vector<1024x128xf32>
    %dot_general3A_32 = arith.constant dense<0.000000e+00> : vector<128x128xf32>
    %dot_general3A_33 = tpu.matmul %convert_element_type3A_29, %broadcast_in_dim3A_31, %dot_general3A_32 {dimension_numbers = #tpu.dot_dimension_numbers<[0], [0], [1], [1], [0, 1, 1, 1], [], []>, transpose_lhs_hint = false} : vector<1024x128xf32>, vector<1024x128xf32>, vector<128x128xf32> -> vector<128x128xf32>
    %eq3A_34 = arith.constant 0 : i32
    %eq3A_35 = arith.cmpi eq, %arg0, %eq3A_34 : i32
    %convert_element_type3A_36 = arith.extui %eq3A_35 : i1 to i32
    %cond3A = arith.constant 0 : i32
    %cond3A_37 = arith.cmpi ne, %convert_element_type3A_36, %cond3A : i32
    scf.if %cond3A_37 {
      %broadcast_in_dim3A_56 = arith.constant 0.000000e+00 : f32
      %broadcast_in_dim3A_57 = vector.broadcast %broadcast_in_dim3A_56 : f32 to vector<128x128xf32>
      %swap3A_58 = arith.constant 0 : index
      %swap3A_59 = arith.constant 0 : index
      %swap3A_60 = vector.load %arg8[%swap3A_58, %swap3A_59] : memref<128x128xf32, #tpu.memory_space<vmem>>, vector<128x128xf32>
      tpu.vector_store %arg8[%swap3A_58, %swap3A_59], %broadcast_in_dim3A_57 {strides = array<i32>} : memref<128x128xf32, #tpu.memory_space<vmem>>, vector<128x128xf32>,
      %broadcast_in_dim3A_61 = arith.constant 0.000000e+00 : f32
      %broadcast_in_dim3A_62 = vector.broadcast %broadcast_in_dim3A_61 : f32 to vector<128x128xf32>
      %swap3A_63 = arith.constant 0 : index
      %swap3A_64 = arith.constant 0 : index
      %swap3A_65 = vector.load %arg9[%swap3A_63, %swap3A_64] : memref<128x128xf32, #tpu.memory_space<vmem>>, vector<128x128xf32>
      tpu.vector_store %arg9[%swap3A_63, %swap3A_64], %broadcast_in_dim3A_62 {strides = array<i32>} : memref<128x128xf32, #tpu.memory_space<vmem>>, vector<128x128xf32>,
    } else {
    }
    %get3A_38 = arith.constant 0 : index
    %get3A_39 = arith.constant 0 : index
    %get3A_40 = vector.load %arg8[%get3A_38, %get3A_39] : memref<128x128xf32, #tpu.memory_space<vmem>>, vector<128x128xf32>
    %add3A_41 = arith.addf %get3A_40, %dot_general3A_30 : vector<128x128xf32>
    %swap3A = arith.constant 0 : index
    %swap3A_42 = arith.constant 0 : index
    %swap3A_43 = vector.load %arg8[%swap3A, %swap3A_42] : memref<128x128xf32, #tpu.memory_space<vmem>>, vector<128x128xf32>
    tpu.vector_store %arg8[%swap3A, %swap3A_42], %add3A_41 {strides = array<i32>} : memref<128x128xf32, #tpu.memory_space<vmem>>, vector<128x128xf32>,
    %get3A_44 = arith.constant 0 : index
    %get3A_45 = arith.constant 0 : index
    %get3A_46 = vector.load %arg9[%get3A_44, %get3A_45] : memref<128x128xf32, #tpu.memory_space<vmem>>, vector<128x128xf32>
    %add3A_47 = arith.addf %get3A_46, %dot_general3A_33 : vector<128x128xf32>
    %swap3A_48 = arith.constant 0 : index
    %swap3A_49 = arith.constant 0 : index
    %swap3A_50 = vector.load %arg9[%swap3A_48, %swap3A_49] : memref<128x128xf32, #tpu.memory_space<vmem>>, vector<128x128xf32>
    tpu.vector_store %arg9[%swap3A_48, %swap3A_49], %add3A_47 {strides = array<i32>} : memref<128x128xf32, #tpu.memory_space<vmem>>, vector<128x128xf32>,
    %eq3A_51 = arith.constant 9 : i32
    %eq3A_52 = arith.cmpi eq, %arg0, %eq3A_51 : i32
    %convert_element_type3A_53 = arith.extui %eq3A_52 : i1 to i32
    %cond3A_54 = arith.constant 0 : i32
    %cond3A_55 = arith.cmpi ne, %convert_element_type3A_53, %cond3A_54 : i32
    scf.if %cond3A_55 {
      %get3A_56 = arith.constant 0 : index
      %get3A_57 = arith.constant 0 : index
      %get3A_58 = vector.load %arg8[%get3A_56, %get3A_57] : memref<128x128xf32, #tpu.memory_space<vmem>>, vector<128x128xf32>
      %get3A_59 = arith.constant 0 : index
      %get3A_60 = arith.constant 0 : index
      %get3A_61 = vector.load %arg9[%get3A_59, %get3A_60] : memref<128x128xf32, #tpu.memory_space<vmem>>, vector<128x128xf32>
      %max3A_62 = arith.constant 1.000000e+00 : f32
      %max3A_63 = vector.broadcast %max3A_62 : f32 to vector<128x128xf32>
      %max3A_64 = arith.maximumf %get3A_61, %max3A_63 : vector<128x128xf32>
      %div3A = arith.divf %get3A_58, %max3A_64 : vector<128x128xf32>
      %get3A_65 = arith.constant 0 : index
      %get3A_66 = arith.constant 0 : index
      %get3A_67 = vector.load %arg6[%get3A_65, %get3A_66] : memref<128x128xf32, #tpu.memory_space<vmem>>, vector<128x128xf32>
      %dot_general3A_68 = arith.constant dense<0.000000e+00> : vector<128x128xf32>
      %dot_general3A_69 = tpu.matmul %div3A, %get3A_67, %dot_general3A_68 {dimension_numbers = #tpu.dot_dimension_numbers<[1], [0], [0], [1], [0, 0, 1, 1], [], []>, transpose_lhs_hint = false} : vector<128x128xf32>, vector<128x128xf32>, vector<128x128xf32> -> vector<128x128xf32>
      %get3A_70 = arith.constant 0 : index
      %get3A_71 = arith.constant 0 : index
      %get3A_72 = vector.load %arg7[%get3A_70, %get3A_71] : memref<1x128xf32, #tpu.memory_space<vmem>>, vector<1x128xf32>
      %add3A_73 = vector.broadcast %get3A_72 : vector<1x128xf32> to vector<128x128xf32>
      %add3A_74 = arith.addf %dot_general3A_69, %add3A_73 : vector<128x128xf32>
      %swap3A_75 = arith.constant 0 : index
      %swap3A_76 = arith.constant 0 : index
      %swap3A_77 = vector.load %arg10[%swap3A_75, %swap3A_76] : memref<128x128xf32, #tpu.memory_space<vmem>>, vector<128x128xf32>
      tpu.vector_store %arg10[%swap3A_75, %swap3A_76], %add3A_74 {strides = array<i32>} : memref<128x128xf32, #tpu.memory_space<vmem>>, vector<128x128xf32>,
    } else {
    }
    return
  }
  func.func @transform_0(%arg0: i32) -> (i32, i32, i32) {
    %c0_i32 = arith.constant 0 : i32
    %c0_i32_0 = arith.constant 0 : i32
    %c0_i32_1 = arith.constant 0 : i32
    return %c0_i32, %arg0, %c0_i32_0 : i32, i32, i32
  }
  func.func @transform_1(%arg0: i32) -> (i32, i32) {
    %c0_i32 = arith.constant 0 : i32
    %c0_i32_0 = arith.constant 0 : i32
    return %arg0, %c0_i32 : i32, i32
  }
  func.func @transform_2(%arg0: i32) -> (i32, i32) {
    %c0_i32 = arith.constant 0 : i32
    %c0_i32_0 = arith.constant 0 : i32
    return %arg0, %c0_i32 : i32, i32
  }
  func.func @transform_3(%arg0: i32) -> (i32, i32) {
    %c0_i32 = arith.constant 0 : i32
    %c0_i32_0 = arith.constant 0 : i32
    %c0_i32_1 = arith.constant 0 : i32
    return %c0_i32, %c0_i32_0 : i32, i32
  }
  func.func @transform_4(%arg0: i32) -> (i32, i32) {
    %c0_i32 = arith.constant 0 : i32
    %c0_i32_0 = arith.constant 0 : i32
    return %arg0, %c0_i32 : i32, i32
  }
  func.func @transform_5(%arg0: i32) -> (i32, i32) {
    %c0_i32 = arith.constant 0 : i32
    %c0_i32_0 = arith.constant 0 : i32
    %c0_i32_1 = arith.constant 0 : i32
    return %c0_i32, %c0_i32_0 : i32, i32
  }
  func.func @transform_6(%arg0: i32) -> (i32, i32) {
    %c0_i32 = arith.constant 0 : i32
    %c0_i32_0 = arith.constant 0 : i32
    %c0_i32_1 = arith.constant 0 : i32
    return %c0_i32, %c0_i32_0 : i32, i32
  }
  func.func @transform_7(%arg0: i32) -> (i32, i32) {
    %c0_i32 = arith.constant 0 : i32
    %c0_i32_0 = arith.constant 0 : i32
    %c0_i32_1 = arith.constant 0 : i32
    return %c0_i32, %c0_i32_0 : i32, i32
  }
  func.func @transform_8(%arg0: i32) -> (i32, i32) {
    %c0_i32 = arith.constant 0 : i32
    %c0_i32_0 = arith.constant 0 : i32
    %c0_i32_1 = arith.constant 0 : i32
    return %c0_i32, %c0_i32_0 : i32, i32
  }
  func.func @transform_9(%arg0: i32) -> (i32, i32) {
    %c0_i32 = arith.constant 0 : i32
    %c0_i32_0 = arith.constant 0 : i32
    %c0_i32_1 = arith.constant 0 : i32
    return %c0_i32, %c0_i32_0 : i32, i32
  }
}

</mosaic_0001>

<sc_bundles>
// kernel: kernel.11.cloned.1.call-start
scs
__scs_entry_jumppad:
0x0: {  	(pc) =	sbr.rel $0x88, $3  }
0x1: {  	(tag) =	ssettag $0x0;
	lr =	simm.s32 $0x1  }
0x2: {  	[smem:$0x3F98] =	sst lr;
	_ =	strace $0xD0000000  }
0x3: {  	_ = 	snop  }
0x4: {  	_ = 	snop  }
0x5: {  	_ = 	snop  }
0x6: {  	_ = 	snop  }
0x7: {  	_ = 	snop  }
__scs_overlays_trampoline_lowered:
0x8: {  	[smem:$0x3FA7] =	sst s0  }
0x9: {  	[smem:$0x3FA8] =	sst s1  }
0xa: {  	[smem:$0x3FA9] =	sst s2  }
0xb: {  	[smem:$0x3FAA] =	sst s3  }
0xc: {  	[smem:$0x3FAB] =	sst s4  }
0xd: {  	[smem:$0x3FAC] =	sst s5  }
0xe: {  	[smem:$0x3FAD] =	sst s6  }
0xf: {  	[smem:$0x3FAE] =	sst s7  }
0x10: {  	[smem:$0x3FAF] =	sst s8  }
0x11: {  	[smem:$0x3FB0] =	sst s9;
	s0 =	simm.s32 @!p0 $0x0  }
0x12: {  	s1 =	sld [smem:$0x3F96];
	s0 =	simm.s32 @p0 $0x1  }
0x13: {  	[smem:$0x3FB1] =	sst s0;
	s0 =	simm.s32 @!p1 $0x0  }
0x14: {  	s2 =	sld [smem:$0x3F95];
	s0 =	simm.s32 @p1 $0x1  }
0x15: {  	[smem:$0x3FB2] =	sst s0;
	s0 =	simm.s32 @!p2 $0x0  }
0x16: {  	s3 =	sld [smem:$0x3FDB];
	s0 =	simm.s32 @p2 $0x1  }
0x17: {  	s4 =	simm.s32 $0x1BF5;
	[smem:$0x3FB4] =	sst s0  }
0x18: {  	s0 =	sld [smem:$0x3F97];
	_ =	swait.ge [sflag:s4], $0x0  }
0x19: {  	s7 =	sld [smem:$0x3F98]  }
0x1a: {  	s8 =	sadd.s32 $0xFFFFE003, lr  }
0x1b: {  	s9 =	sadd.s32 $0xFFFFFEF7, lr;
	s5 =	simm.s32 $0xFFFFFFFF;
	p2 =	slt.u32 s8, $0xFFFFF086  }
0x1c: {  	p1 =	slt.u32 s9, $0xF7A;
	s5 =	simm.s32 @!p2 $0x0  }
0x1d: {  	s5 =	simm.s32 @p1 $0x1;
	p0 =	seq.s32 s7, s2  }
0x1e: {  	s7 =	smul.u32 @!p0 $0xF7A, s2;
	p2 =	seq.s32 @!p0 s5, $0x0  }
0x1f: {  	s9 =	smul.u32 $0xF7A, s1;
	s8 =	simm.s32 @!p0 $0x1BF5;
	p2 =	por !p2, p0  }
0x20: {  	[sflag:s8] =	ssyncset.s32 @!p0 $0xFFFFF086;
	s6 =	sadd.s32 @!p0 s3, s7;
	s7 =	simm.s32 @!p0 $0x108  }
0x21: {  	s3 =	sadd.s32 s3, s9;
	s6 =	sadd.s32 @!p0 $0x88, s6;
	s7 =	simm.s32 @p2 $0x1082  }
0x22: {  	[simem:s7], [sflag:s8] =	dma.local @!p0 [hbm:s6], $0xF7A  }
0x23: {  	s9 =	sor.u32 $0xD0000000, s2;
	s6 =	simm.s32 $0x108;
	_ =	swait.ge @!p0 [sflag:s8], $0x0  }
0x24: {  	s3 =	sadd.s32 $0x88, s3;
	s6 =	simm.s32 @!p1 $0x1082;
	[sflag:s4] =	ssyncset.s32 $0xFFFFF086  }
0x25: {  	[simem:s6], [sflag:s4] =	dma.local [hbm:s3], $0xF7A  }
0x26: {  	[smem:$0x3F98] =	sst s1;
	(tag) =	ssettag s2;
	_ =	strace s9  }
0x27: {  	s1 =	sld [smem:$0x3FA8]  }
0x28: {  	s2 =	sld [smem:$0x3FA9]  }
0x29: {  	s4 =	sld [smem:$0x3FAB]  }
0x2a: {  	p0 =	seq.s32 s5, $0x0;
	s5 =	sld [smem:$0x3FAC]  }
0x2b: {  	s6 =	sld [smem:$0x3FAD]  }
0x2c: {  	s7 =	sld [smem:$0x3FAE]  }
0x2d: {  	s3 =	simm.s32 $0x108;
	s8 =	sld [smem:$0x3FAF]  }
0x2e: {  	s3 =	simm.s32 @!p0 $0x1082;
	s9 =	sld [smem:$0x3FB0]  }
0x2f: {  	lr =	sadd.s32 s0, s3;
	s0 =	sld [smem:$0x3FA7]  }
0x30: {  	s3 =	sld [smem:$0x3FAA]  }
0x31: {  	[smem:$0x3FB3] =	sst s10  }
0x32: {  	s10 =	sld [smem:$0x3FB1];
	_ =	sdelay $0x3  }
0x33: {  	p0 =	seq.s32 s10, $0x1;
	s10 =	sld [smem:$0x3FB3];
	_ =	sdelay $0x3  }
0x34: {  	[smem:$0x3FB3] =	sst s10  }
0x35: {  	s10 =	sld [smem:$0x3FB2];
	_ =	sdelay $0x3  }
0x36: {  	p1 =	seq.s32 s10, $0x1;
	s10 =	sld [smem:$0x3FB3];
	_ =	sdelay $0x3  }
0x37: {  	[smem:$0x3FB3] =	sst s10  }
0x38: {  	s10 =	sld [smem:$0x3FB4]  }
0x39: {  	_ = 	snop;
	(pc) =	sbr.ind lr, $3  }
0x3a: {  	_ = 	snop  }
0x3b: {  	_ = 	snop  }
0x3c: {  	p2 =	seq.s32 s10, $0x1;
	s10 =	sld [smem:$0x3FB3]  }
0x3d: {  	_ =	shalt  }
0x3e: {  	_ =	shalt  }
0x3f: {  	_ =	shalt  }
0x40: {  	_ =	shalt  }
0x41: {  	_ =	shalt  }
0x42: {  	_ =	shalt  }
0x43: {  	_ =	shalt  }
0x44: {  	_ =	shalt  }
0x45: {  	_ =	shalt  }
0x46: {  	_ =	shalt  }
0x47: {  	_ =	shalt  }
0x48: {  	_ =	shalt  }
0x49: {  	_ =	shalt  }
0x4a: {  	_ =	shalt  }
0x4b: {  	_ =	shalt  }
0x4c: {  	_ =	shalt  }
0x4d: {  	_ =	shalt  }
0x4e: {  	_ =	shalt  }
0x4f: {  	_ =	shalt  }
0x50: {  	_ =	shalt  }
0x51: {  	_ =	shalt  }
0x52: {  	_ =	shalt  }
0x53: {  	_ =	shalt  }
0x54: {  	_ =	shalt  }
0x55: {  	_ =	shalt  }
0x56: {  	_ =	shalt  }
0x57: {  	_ =	shalt  }
0x58: {  	_ =	shalt  }
0x59: {  	_ =	shalt  }
0x5a: {  	_ =	shalt  }
0x5b: {  	_ =	shalt  }
0x5c: {  	_ =	shalt  }
0x5d: {  	_ =	shalt  }
0x5e: {  	_ =	shalt  }
0x5f: {  	_ =	shalt  }
0x60: {  	_ =	shalt  }
0x61: {  	_ =	shalt  }
0x62: {  	_ =	shalt  }
0x63: {  	_ =	shalt  }
0x64: {  	_ =	shalt  }
0x65: {  	_ =	shalt  }
0x66: {  	_ =	shalt  }
0x67: {  	_ =	shalt  }
0x68: {  	_ =	shalt  }
0x69: {  	_ =	shalt  }
0x6a: {  	_ =	shalt  }
0x6b: {  	_ =	shalt  }
0x6c: {  	_ =	shalt  }
0x6d: {  	_ =	shalt  }
0x6e: {  	_ =	shalt  }
0x6f: {  	_ =	shalt  }
0x70: {  	_ =	shalt  }
0x71: {  	_ =	shalt  }
0x72: {  	_ =	shalt  }
0x73: {  	_ =	shalt  }
0x74: {  	_ =	shalt  }
0x75: {  	_ =	shalt  }
0x76: {  	_ =	shalt  }
0x77: {  	_ =	shalt  }
0x78: {  	_ =	shalt  }
0x79: {  	_ =	shalt  }
0x7a: {  	_ =	shalt  }
0x7b: {  	_ =	shalt  }
0x7c: {  	_ =	shalt  }
0x7d: {  	_ =	shalt  }
0x7e: {  	_ =	shalt  }
0x7f: {  	_ =	shalt  }
0x80: {  	_ =	shalt  }
0x81: {  	_ =	shalt  }
0x82: {  	_ =	shalt  }
0x83: {  	_ =	shalt  }
0x84: {  	_ =	shalt  }
0x85: {  	_ =	shalt  }
0x86: {  	_ =	shalt  }
0x87: {  	_ =	shalt  }
.Lfunc_end0:
.L_simem_size_0:
called_computation.1_lowered:
.L_overlay_start_0:
0x88: {  	s2 =	sld [smem:$0x3FD9]  }
0x89: {  	s3 =	sld [smem:$0x3FFE];
	_ =	sdelay $0x1  }
0x8a: {  	s1 =	srdreg.scid  }
0x8b: {  	s0 =	sand.u32 $0x1, s1  }
0x8c: {  	s16 =	sshll.u32 s0, $0xA;
	s2 =	sadd.s32 s3, s2  }
0x8d: {  	s2 =	sadd.s32 s2, s16  }
0x8e: {  	[smem:$0x3FBF] =	sst s2  }
0x8f: {  	_ = 	snop  }
0x90: {  	(tm) =	ssettm $0x1  }
0x91: {  	s17 =	sld [smem:$0x3FFB];
	_ =	sdelay $0x3  }
0x92: {  	_ =	strace s17  }
0x93: {  	s2 =	sld [smem:$0x3FFC];
	_ =	sdelay $0x3  }
0x94: {  	_ =	strace s2  }
0x95: {  	s2 =	sld [smem:$0x3FFD];
	_ =	sdelay $0x3  }
0x96: {  	_ =	strace s2  }
0x97: {  	_ =	strace $0x8FFFFFFF  }
0x98: {  	s18 =	sld [smem:$0x3FDB];
	_ =	sdelay $0x1  }
0x99: {  	s19 =	simm.s32 $_scs_section_size  }
0x9a: {  	s4 =	simm.s32 $_size__tile_overlayer_lowered;
	s5 =	simm.s32 $_tile_overlayer_lowered  }
0x9b: {  	s22 =	simm.s32 $0x1BFF;
	s21 =	sshll.u32 s5, $0x1;
	s2 =	sadd.s32 s19, s18  }
0x9c: {  	s6 =	simm.s32 $0x0;
	s20 =	sshll.u32 s4, $0x1;
	s4 =	sadd.s32 s21, s2  }
0x9d: {  	[timem:s6], [sflag:s22] =	dma.local [hbm:s4], s20  }
0x9e: {  	_ =	swait.ge [sflag:s22], s20  }
0x9f: {  	s3 =	ssub.s32 $0x0, s20;
	[sflag:s22] =	ssyncset.done $0x0  }
0xa0: {  	[sflag:s22] =	ssyncadd.s32 s3;
	_ =	sdelay $0x1  }
0xa1: {  	s23 =	simm.s32 $0x1B8B  }
0xa2: {  	_ =	swait.ge [sflag:s23], $0x1  }
0xa3: {  	[sflag:s23] =	ssyncset.done $0x0  }
0xa4: {  	s25 =	simm.s32 $0x1B8E;
	s24 =	sld [smem:$0x3FFE];
	[sflag:s23] =	ssyncadd.s32 $0xFFFFFFFF  }
0xa5: {  	s26 =	simm.s32 $execute0_lowered;
	[smem:$0x3FD2] =	sst s25  }
0xa6: {  	s4 =	sshll.u32 s26, $0x1;
	_ =	strace $0x80000049;
	[dreg:$0x1] =	wrdreg $0xFFFFFFFF  }
0xa7: {  	s28 =	simm.s32 $_size_execute0_lowered;
	s2 =	sadd.s32 s2, s4;
	[dreg:$0x0] =	wrdreg $0x0  }
0xa8: {  	s4 =	sshll.u32 s28, $0x1;
	[dreg:$0x2] =	wrdreg s2  }
0xa9: {  	[dreg:$0x3] =	wrdreg s4  }
0xaa: {  	[dreg:$0x4] =	wrdreg $0xC0  }
0xab: {  	_ =	task [dreg:s6], $0x5FFFF  }
0xac: {  	[dreg:$0x1] =	wrdreg $0xFFFFFFFF  }
0xad: {  	[dreg:$0x0] =	wrdreg $0x60  }
0xae: {  	[dreg:$0x2] =	wrdreg s24  }
0xaf: {  	[dreg:$0x3] =	wrdreg $0xA8000  }
0xb0: {  	[dreg:$0x4] =	wrdreg $0x9  }
0xb1: {  	_ =	task.clear_ibuf [dreg:s6], $0x5FFFF;
	_ =	strace $0x90000049  }
0xb2: {  	s29 =	simm.s32 $0x9;
	_ =	strace $0x8000004B  }
0xb3: {  	_ =	swait.ge [sflag:s29], $0x1  }
0xb4: {  	[sflag:s29] =	ssyncadd.s32 $0xFFFFFFFF  }
0xb5: {  	_ =	strace $0x9000004B  }
0xb6: {  	_ =	sfence  }
0xb7: {  	s30 =	sld [smem:$0x0];
	_ =	sdelay $0x2  }
0xb8: {  	s31 =	sshll.u32 s1, $0xD;
	s1 =	sshrl.u32 s1, $0x2  }
0xb9: {  	s3 =	sand.u32 $0x4000, s31;
	s1 =	sadd.s32 s1, s30  }
0xba: {  	s0 =	sor.u32 s3, s0;
	s1 =	sshll.u32 s1, $0x11  }
0xbb: {  	s0 =	sor.u32 s1, s0  }
0xbc: {  	s0 =	sadd.s32 $0x8F2B, s0  }
0xbd: {  	[sflag:s0] =	ssyncadd.remote.s32 $0x1  }
0xbe: {  	_ =	sfence.sel $0xFFFF  }
0xbf: {  	[dreg:$0x0] =	wrdreg $0xFFFFFFFF;
	(pc) =	sbr.abs _section_cstart, $3  }
0xc0: {  	[dreg:$0x1] =	wrdreg $0xFFFFFFFF  }
0xc1: {  	_ =	task.clear_ibuf [dreg:s6], $0x2FFFF;
	_ =	strace $0x9FFFFFFF  }
0xc2: {  	(tm) =	ssettm $0x7FFFFFFF  }
0xc3: {  	_ =	shalt  }
tec
execute0_lowered:
.L_overlay_start_1:
0x0: {  	(tag) =	ssettag $0x1  }
0x1: {  	s5 =	rddreg [dreg:$0x0]  }
0x2: {  	s1 =	rddreg [dreg:$0x1];
	s2 =	srdreg.scid  }
0x3: {  	s0 =	rddreg [dreg:$0x2];
	s3 =	simm.s32 $0x0;
	s17 =	simm.s32 $0x3  }
0x4: {  	s18 =	simm.s32 $0x1400;
	s19 =	simm.s32 $0x80;
	s20 =	simm.s32 $0x6800  }
0x5: {  	s21 =	simm.s32 $0x1;
	s22 =	simm.s32 $0x2;
	s23 =	simm.s32 $0x1380  }
0x6: {  	s24 =	simm.s32 $0x2700;
	s25 =	simm.s32 $0x2780;
	s6 =	sand.u32 $0x1, s2  }
0x7: {  	s2 =	stileid.u32;
	[smem:$0x7FF] =	sst s3;
	s4 =	sadd.s32 $0x17600, s5  }
0x8: {  	s14 =	sadd.s32 $0xD600, s5;
	s15 =	sadd.s32 $0x2C00, s5;
	s7 =	smul.u32 $0x140000, s6  }
0x9: {  	s8 =	smul.u32 $0x14000, s2;
	s29 =	ssub.s32 $0x2, s6;
	s6 =	sshll.u32 s6, $0x4  }
0xa: {  	_ =	strace $0x8000004A;
	s9 =	smul.u32 $0x50000, s2;
	s6 =	sor.u32 s2, s6  }
0xb: {  	s30 =	sshrl.u32 s29, $0x1;
	s7 =	sadd.s32 s8, s7;
	s12 =	smul.u32 $0x2800, s6  }
0xc: {  	s8 =	ssub.s32 s29, s30;
	s31 =	sshrl.u32 s9, $0x2;
	s7 =	sshrl.u32 s7, $0x3  }
0xd: {  	s7 =	sadd.s32 s7, s5;
	s5 =	sadd.s32 s31, s1;
	s16 =	sshrl.u32 s12, $0x3  }
0xe: {  	s6 =	sadd.s32 $0x3F600, s7;
	s7 =	smax.u32 s8, $0x1;
	s8 =	sadd.s32 $0x4000, s5  }
0xf: {  	s9 =	sadd.s32 $0x8000, s5;
	s10 =	sadd.s32 $0xC000, s5;
	s11 =	sadd.s32 $0x10000, s5  }
0x10: {  	s12 =	sadd.s32 s14, s16;
	s13 =	sadd.s32 s15, s16;
	s16 =	sadd.s32 $0x280, s16  }
0x11: {  	v0 =	vimm.f32 $0.0e+00;
	s14 =	sadd.s32 s14, s16;
	s15 =	sadd.s32 s15, s16;
	s16 =	simm.s32 $0x2800  }
.LBB2_1:
0x12: {  	s26 =	simm.s32 $0x0;
	s28 =	simm.s32 $0x200  }
.LBB2_2:
0x13: {  	p0 =	sne.s32 s28, $0xFE00;
	[tilespmem:s26+$0x2870] =	vst v0  }
0x14: {  	[tilespmem:s26+$0x2800] =	vst v0  }
0x15: {  	[tilespmem:s26+$0x2810] =	vst v0  }
.Ltmp0:
0x16: {  	[tilespmem:s26+$0x2820] =	vst v0;
	(pc) =	sbr.rel @p0 .LBB2_2-.Ltmp0, $4  }
0x17: {  	[tilespmem:s26+$0x2830] =	vst v0  }
0x18: {  	[tilespmem:s26+$0x2840] =	vst v0  }
0x19: {  	[tilespmem:s26+$0x2850] =	vst v0  }
0x1a: {  	[tilespmem:s26+$0x2860] =	vst v0;
	s26 =	sshra.s32 s28, $0x2;
	s28 =	sadd.s32 $0x200, s28  }
0x1b: {  	[tilespmem:s26+$0x2870] =	vst v0  }
0x1c: {  	[tilespmem:s26+$0x2800] =	vst v0  }
0x1d: {  	[tilespmem:s26+$0x2810] =	vst v0  }
0x1e: {  	[tilespmem:s26+$0x2820] =	vst v0  }
0x1f: {  	[tilespmem:s26+$0x2830] =	vst v0  }
0x20: {  	[tilespmem:s26+$0x2840] =	vst v0  }
0x21: {  	[tilespmem:s26+$0x2850] =	vst v0  }
0x22: {  	[tilespmem:s26+$0x2860] =	vst v0  }
0x23: {  	[spmem:s5] =	stream.linear.scatter [tilespmem:s16], [sflag:$0x3], $0x4000, $0x38;
	[tilespmem:$0x1E800] =	vst v63  }
0x24: {  	_ =	swait.ge [sflag:s17], $0x4000  }
0x25: {  	[sflag:s17] =	ssyncset.done $0x0  }
0x26: {  	[sflag:s17] =	ssyncadd.s32 $0xFFFFC000  }
0x27: {  	[spmem:s8] =	stream.linear.scatter [tilespmem:s16], [sflag:$0x3], $0x4000, $0x38;
	[tilespmem:$0x1E800] =	vst v63  }
0x28: {  	_ =	swait.ge [sflag:s17], $0x4000  }
0x29: {  	[sflag:s17] =	ssyncset.done $0x0  }
0x2a: {  	[sflag:s17] =	ssyncadd.s32 $0xFFFFC000  }
0x2b: {  	[spmem:s9] =	stream.linear.scatter [tilespmem:s16], [sflag:$0x3], $0x4000, $0x38;
	[tilespmem:$0x1E800] =	vst v63  }
0x2c: {  	_ =	swait.ge [sflag:s17], $0x4000  }
0x2d: {  	[sflag:s17] =	ssyncset.done $0x0  }
0x2e: {  	[sflag:s17] =	ssyncadd.s32 $0xFFFFC000  }
0x2f: {  	[spmem:s10] =	stream.linear.scatter [tilespmem:s16], [sflag:$0x3], $0x4000, $0x38;
	[tilespmem:$0x1E800] =	vst v63  }
0x30: {  	_ =	swait.ge [sflag:s17], $0x4000  }
0x31: {  	[sflag:s17] =	ssyncset.done $0x0  }
0x32: {  	[sflag:s17] =	ssyncadd.s32 $0xFFFFC000  }
0x33: {  	[spmem:s11] =	stream.linear.scatter [tilespmem:s16], [sflag:$0x3], $0x4000, $0x38;
	[tilespmem:$0x1E800] =	vst v63  }
0x34: {  	_ =	swait.ge [sflag:s17], $0x4000  }
0x35: {  	[sflag:s17] =	ssyncset.done $0x0  }
0x36: {  	[sflag:s17] =	ssyncadd.s32 $0xFFFFC000  }
0x37: {  	s30 =	simm.s32 $0x0;
	[bflag:$0x0] =	sbarrier.arrive $0xFFFF  }
0x38: {  	[tilespmem:s30], [sflag:$0x3] =	stream.linear.gather [hbm4b:s12+s30], $0x1400, $0x38;
	[tilespmem:$0x1E800] =	vst v63  }
0x39: {  	_ =	swait.ge [sflag:s17], $0x1400  }
0x3a: {  	[sflag:s17] =	ssyncset.done $0x0  }
0x3b: {  	[sflag:s17] =	ssyncadd.s32 $0xFFFFEC00  }
0x3c: {  	[tilespmem:s18], [sflag:$0x3] =	stream.linear.gather [hbm4b:s13+s30], $0x1400, $0x38;
	[tilespmem:$0x1E800] =	vst v63  }
0x3d: {  	_ =	swait.ge [sflag:s17], $0x1400  }
0x3e: {  	[sflag:s17] =	ssyncset.done $0x0  }
0x3f: {  	[sflag:s17] =	ssyncadd.s32 $0xFFFFEC00  }
0x40: {  	[tilespmem:s16], [sflag:$0x1] =	stream.indirect.gather [hbm4b:s4+s19], $0x80, s30, s19, $0xb8;
	[tilespmem:$0x1E800] =	vst v63  }
0x41: {  	s31 =	simm.s32 $0x80  }
0x42: {  	[tilespmem:s20], [sflag:$0x2] =	stream.indirect.gather [hbm4b:s4+s19], $0x80, s31, s19, $0xb8;
	[tilespmem:$0x1E800] =	vst v63  }
0x43: {  	_ =	swait.ge [sflag:s21], $0x4000  }
0x44: {  	[sflag:s21] =	ssyncset.done $0x0  }
0x45: {  	s29 =	simm.s32 $0x1400;
	[sflag:s21] =	ssyncadd.s32 $0xFFFFC000  }
0x46: {  	[spmem:s1] =	stream.indirect.scatter.add.f32 [tilespmem:s16], [sflag:$0x3], $0x80, s29, s19, $0xb8;
	[tilespmem:$0x1E800] =	vst v63  }
0x47: {  	_ =	swait.ge [sflag:s17], $0x4000  }
0x48: {  	[sflag:s17] =	ssyncset.done $0x0  }
0x49: {  	s30 =	simm.s32 $0x100;
	[sflag:s17] =	ssyncadd.s32 $0xFFFFC000  }
0x4a: {  	[tilespmem:s16], [sflag:$0x1] =	stream.indirect.gather [hbm4b:s4+s19], $0x80, s30, s19, $0xb8;
	[tilespmem:$0x1E800] =	vst v63  }
0x4b: {  	_ =	swait.ge [sflag:s22], $0x4000  }
0x4c: {  	[sflag:s22] =	ssyncset.done $0x0  }
0x4d: {  	s31 =	simm.s32 $0x1480;
	[sflag:s22] =	ssyncadd.s32 $0xFFFFC000  }
0x4e: {  	[spmem:s1] =	stream.indirect.scatter.add.f32 [tilespmem:s20], [sflag:$0x3], $0x80, s31, s19, $0xb8;
	[tilespmem:$0x1E800] =	vst v63  }
0x4f: {  	_ =	swait.ge [sflag:s17], $0x4000  }
0x50: {  	s28 =	simm.s32 $0x800;
	s26 =	simm.s32 $0x100;
	[sflag:s17] =	ssyncset.done $0x0  }
.LBB2_4:
0x51: {  	s29 =	sadd.s32 $0x80, s26  }
0x52: {  	[sflag:s17] =	ssyncadd.s32 $0xFFFFC000;
	s30 =	smov.u32 s28;
	s31 =	sadd.s32 $0x400, s28  }
0x53: {  	[tilespmem:s20], [sflag:$0x2] =	stream.indirect.gather [hbm4b:s4+s19], $0x80, s29, s19, $0xb8;
	[tilespmem:$0x1E800] =	vst v63  }
0x54: {  	p0 =	sne.s32 s28, $0x4800;
	_ =	swait.ge [sflag:s21], $0x4000  }
0x55: {  	[sflag:s21] =	ssyncset.done $0x0  }
0x56: {  	s28 =	sadd.s32 $0x1400, s26;
	[sflag:s21] =	ssyncadd.s32 $0xFFFFC000  }
0x57: {  	[spmem:s1] =	stream.indirect.scatter.add.f32 [tilespmem:s16], [sflag:$0x3], $0x80, s28, s19, $0xb8;
	[tilespmem:$0x1E800] =	vst v63  }
0x58: {  	_ =	swait.ge [sflag:s17], $0x4000  }
0x59: {  	[sflag:s17] =	ssyncset.done $0x0  }
0x5a: {  	s28 =	sadd.s32 $0x100, s26;
	[sflag:s17] =	ssyncadd.s32 $0xFFFFC000  }
0x5b: {  	[tilespmem:s16], [sflag:$0x1] =	stream.indirect.gather [hbm4b:s4+s19], $0x80, s28, s19, $0xb8;
	[tilespmem:$0x1E800] =	vst v63  }
0x5c: {  	_ =	swait.ge [sflag:s22], $0x4000  }
.Ltmp1:
0x5d: {  	[sflag:s22] =	ssyncset.done $0x0;
	(pc) =	sbr.rel @p0 .LBB2_4-.Ltmp1, $4  }
0x5e: {  	s26 =	sadd.s32 $0x1480, s26;
	[sflag:s22] =	ssyncadd.s32 $0xFFFFC000  }
0x5f: {  	[spmem:s1] =	stream.indirect.scatter.add.f32 [tilespmem:s20], [sflag:$0x3], $0x80, s26, s19, $0xb8;
	[tilespmem:$0x1E800] =	vst v63  }
0x60: {  	_ =	swait.ge [sflag:s17], $0x4000  }
0x61: {  	s28 =	smov.u32 s31;
	s26 =	sshra.s32 s30, $0x2;
	[sflag:s17] =	ssyncset.done $0x0  }
0x62: {  	s28 =	sadd.s32 $0x80, s26;
	[sflag:s17] =	ssyncadd.s32 $0xFFFFC000  }
0x63: {  	[tilespmem:s20], [sflag:$0x2] =	stream.indirect.gather [hbm4b:s4+s19], $0x80, s28, s19, $0xb8;
	[tilespmem:$0x1E800] =	vst v63  }
0x64: {  	_ =	swait.ge [sflag:s21], $0x4000  }
0x65: {  	[sflag:s21] =	ssyncset.done $0x0  }
0x66: {  	s28 =	sadd.s32 $0x1400, s26;
	[sflag:s21] =	ssyncadd.s32 $0xFFFFC000  }
0x67: {  	[spmem:s1] =	stream.indirect.scatter.add.f32 [tilespmem:s16], [sflag:$0x3], $0x80, s28, s19, $0xb8;
	[tilespmem:$0x1E800] =	vst v63  }
0x68: {  	_ =	swait.ge [sflag:s17], $0x4000  }
0x69: {  	[sflag:s17] =	ssyncset.done $0x0  }
0x6a: {  	s28 =	sadd.s32 $0x100, s26;
	[sflag:s17] =	ssyncadd.s32 $0xFFFFC000  }
0x6b: {  	[tilespmem:s16], [sflag:$0x1] =	stream.indirect.gather [hbm4b:s4+s19], $0x80, s28, s19, $0xb8;
	[tilespmem:$0x1E800] =	vst v63  }
0x6c: {  	_ =	swait.ge [sflag:s22], $0x4000  }
0x6d: {  	[sflag:s22] =	ssyncset.done $0x0  }
0x6e: {  	s29 =	sadd.s32 $0x1480, s26;
	[sflag:s22] =	ssyncadd.s32 $0xFFFFC000  }
0x6f: {  	[spmem:s1] =	stream.indirect.scatter.add.f32 [tilespmem:s20], [sflag:$0x3], $0x80, s29, s19, $0xb8;
	[tilespmem:$0x1E800] =	vst v63  }
0x70: {  	_ =	swait.ge [sflag:s17], $0x4000  }
0x71: {  	[sflag:s17] =	ssyncset.done $0x0  }
0x72: {  	[sflag:s17] =	ssyncadd.s32 $0xFFFFC000  }
0x73: {  	[tilespmem:s20], [sflag:$0x2] =	stream.indirect.gather [hbm4b:s4+s19], $0x80, s23, s19, $0xb8;
	[tilespmem:$0x1E800] =	vst v63  }
0x74: {  	_ =	swait.ge [sflag:s21], $0x4000  }
0x75: {  	[sflag:s21] =	ssyncset.done $0x0  }
0x76: {  	[sflag:s21] =	ssyncadd.s32 $0xFFFFC000  }
0x77: {  	[spmem:s1] =	stream.indirect.scatter.add.f32 [tilespmem:s16], [sflag:$0x3], $0x80, s24, s19, $0xb8;
	[tilespmem:$0x1E800] =	vst v63  }
0x78: {  	_ =	swait.ge [sflag:s17], $0x4000  }
0x79: {  	[sflag:s17] =	ssyncset.done $0x0  }
0x7a: {  	[sflag:s17] =	ssyncadd.s32 $0xFFFFC000  }
0x7b: {  	_ =	swait.ge [sflag:s22], $0x4000  }
0x7c: {  	[sflag:s22] =	ssyncset.done $0x0  }
0x7d: {  	[sflag:s22] =	ssyncadd.s32 $0xFFFFC000  }
0x7e: {  	[spmem:s1] =	stream.indirect.scatter.add.f32 [tilespmem:s20], [sflag:$0x3], $0x80, s25, s19, $0xb8;
	[tilespmem:$0x1E800] =	vst v63  }
0x7f: {  	_ =	swait.ge [sflag:s17], $0x4000  }
0x80: {  	[sflag:s17] =	ssyncset.done $0x0  }
0x81: {  	s30 =	simm.s32 $0x0;
	[sflag:s17] =	ssyncadd.s32 $0xFFFFC000  }
0x82: {  	[tilespmem:s30], [sflag:$0x3] =	stream.linear.gather [hbm4b:s14+s30], $0x1400, $0x38;
	[tilespmem:$0x1E800] =	vst v63  }
0x83: {  	_ =	swait.ge [sflag:s17], $0x1400  }
0x84: {  	[sflag:s17] =	ssyncset.done $0x0  }
0x85: {  	[sflag:s17] =	ssyncadd.s32 $0xFFFFEC00  }
0x86: {  	[tilespmem:s18], [sflag:$0x3] =	stream.linear.gather [hbm4b:s15+s30], $0x1400, $0x38;
	[tilespmem:$0x1E800] =	vst v63  }
0x87: {  	_ =	swait.ge [sflag:s17], $0x1400  }
0x88: {  	[sflag:s17] =	ssyncset.done $0x0  }
0x89: {  	[sflag:s17] =	ssyncadd.s32 $0xFFFFEC00  }
0x8a: {  	[tilespmem:s16], [sflag:$0x1] =	stream.indirect.gather [hbm4b:s4+s19], $0x80, s30, s19, $0xb8;
	[tilespmem:$0x1E800] =	vst v63  }
0x8b: {  	s31 =	simm.s32 $0x80  }
0x8c: {  	[tilespmem:s20], [sflag:$0x2] =	stream.indirect.gather [hbm4b:s4+s19], $0x80, s31, s19, $0xb8;
	[tilespmem:$0x1E800] =	vst v63  }
0x8d: {  	_ =	swait.ge [sflag:s21], $0x4000  }
0x8e: {  	[sflag:s21] =	ssyncset.done $0x0  }
0x8f: {  	s29 =	simm.s32 $0x1400;
	[sflag:s21] =	ssyncadd.s32 $0xFFFFC000  }
0x90: {  	[spmem:s1] =	stream.indirect.scatter.add.f32 [tilespmem:s16], [sflag:$0x3], $0x80, s29, s19, $0xb8;
	[tilespmem:$0x1E800] =	vst v63  }
0x91: {  	_ =	swait.ge [sflag:s17], $0x4000  }
0x92: {  	[sflag:s17] =	ssyncset.done $0x0  }
0x93: {  	s30 =	simm.s32 $0x100;
	[sflag:s17] =	ssyncadd.s32 $0xFFFFC000  }
0x94: {  	[tilespmem:s16], [sflag:$0x1] =	stream.indirect.gather [hbm4b:s4+s19], $0x80, s30, s19, $0xb8;
	[tilespmem:$0x1E800] =	vst v63  }
0x95: {  	_ =	swait.ge [sflag:s22], $0x4000  }
0x96: {  	[sflag:s22] =	ssyncset.done $0x0  }
0x97: {  	s31 =	simm.s32 $0x1480;
	[sflag:s22] =	ssyncadd.s32 $0xFFFFC000  }
0x98: {  	[spmem:s1] =	stream.indirect.scatter.add.f32 [tilespmem:s20], [sflag:$0x3], $0x80, s31, s19, $0xb8;
	[tilespmem:$0x1E800] =	vst v63  }
0x99: {  	_ =	swait.ge [sflag:s17], $0x4000  }
0x9a: {  	s26 =	simm.s32 $0x100;
	s28 =	simm.s32 $0x800;
	[sflag:s17] =	ssyncset.done $0x0  }
.LBB2_6:
0x9b: {  	s29 =	sadd.s32 $0x80, s26  }
0x9c: {  	[sflag:s17] =	ssyncadd.s32 $0xFFFFC000;
	s30 =	smov.u32 s28;
	s31 =	sadd.s32 $0x400, s28  }
0x9d: {  	[tilespmem:s20], [sflag:$0x2] =	stream.indirect.gather [hbm4b:s4+s19], $0x80, s29, s19, $0xb8;
	[tilespmem:$0x1E800] =	vst v63  }
0x9e: {  	p0 =	sne.s32 s28, $0x4800;
	_ =	swait.ge [sflag:s21], $0x4000  }
0x9f: {  	[sflag:s21] =	ssyncset.done $0x0  }
0xa0: {  	s28 =	sadd.s32 $0x1400, s26;
	[sflag:s21] =	ssyncadd.s32 $0xFFFFC000  }
0xa1: {  	[spmem:s1] =	stream.indirect.scatter.add.f32 [tilespmem:s16], [sflag:$0x3], $0x80, s28, s19, $0xb8;
	[tilespmem:$0x1E800] =	vst v63  }
0xa2: {  	_ =	swait.ge [sflag:s17], $0x4000  }
0xa3: {  	[sflag:s17] =	ssyncset.done $0x0  }
0xa4: {  	s28 =	sadd.s32 $0x100, s26;
	[sflag:s17] =	ssyncadd.s32 $0xFFFFC000  }
0xa5: {  	[tilespmem:s16], [sflag:$0x1] =	stream.indirect.gather [hbm4b:s4+s19], $0x80, s28, s19, $0xb8;
	[tilespmem:$0x1E800] =	vst v63  }
0xa6: {  	_ =	swait.ge [sflag:s22], $0x4000  }
.Ltmp2:
0xa7: {  	[sflag:s22] =	ssyncset.done $0x0;
	(pc) =	sbr.rel @p0 .LBB2_6-.Ltmp2, $4  }
0xa8: {  	s26 =	sadd.s32 $0x1480, s26;
	[sflag:s22] =	ssyncadd.s32 $0xFFFFC000  }
0xa9: {  	[spmem:s1] =	stream.indirect.scatter.add.f32 [tilespmem:s20], [sflag:$0x3], $0x80, s26, s19, $0xb8;
	[tilespmem:$0x1E800] =	vst v63  }
0xaa: {  	_ =	swait.ge [sflag:s17], $0x4000  }
0xab: {  	s28 =	smov.u32 s31;
	s26 =	sshra.s32 s30, $0x2;
	[sflag:s17] =	ssyncset.done $0x0  }
0xac: {  	s28 =	sadd.s32 $0x80, s26;
	[sflag:s17] =	ssyncadd.s32 $0xFFFFC000  }
0xad: {  	[tilespmem:s20], [sflag:$0x2] =	stream.indirect.gather [hbm4b:s4+s19], $0x80, s28, s19, $0xb8;
	[tilespmem:$0x1E800] =	vst v63  }
0xae: {  	_ =	swait.ge [sflag:s21], $0x4000  }
0xaf: {  	[sflag:s21] =	ssyncset.done $0x0  }
0xb0: {  	s30 =	sadd.s32 $0x1400, s26;
	[sflag:s21] =	ssyncadd.s32 $0xFFFFC000  }
0xb1: {  	[spmem:s1] =	stream.indirect.scatter.add.f32 [tilespmem:s16], [sflag:$0x3], $0x80, s30, s19, $0xb8;
	[tilespmem:$0x1E800] =	vst v63  }
0xb2: {  	_ =	swait.ge [sflag:s17], $0x4000  }
0xb3: {  	[sflag:s17] =	ssyncset.done $0x0  }
0xb4: {  	s31 =	sadd.s32 $0x100, s26;
	[sflag:s17] =	ssyncadd.s32 $0xFFFFC000  }
0xb5: {  	[tilespmem:s16], [sflag:$0x1] =	stream.indirect.gather [hbm4b:s4+s19], $0x80, s31, s19, $0xb8;
	[tilespmem:$0x1E800] =	vst v63  }
0xb6: {  	_ =	swait.ge [sflag:s22], $0x4000  }
0xb7: {  	[sflag:s22] =	ssyncset.done $0x0  }
0xb8: {  	s29 =	sadd.s32 $0x1480, s26;
	[sflag:s22] =	ssyncadd.s32 $0xFFFFC000  }
0xb9: {  	[spmem:s1] =	stream.indirect.scatter.add.f32 [tilespmem:s20], [sflag:$0x3], $0x80, s29, s19, $0xb8;
	[tilespmem:$0x1E800] =	vst v63  }
0xba: {  	_ =	swait.ge [sflag:s17], $0x4000  }
0xbb: {  	[sflag:s17] =	ssyncset.done $0x0  }
0xbc: {  	[sflag:s17] =	ssyncadd.s32 $0xFFFFC000  }
0xbd: {  	[tilespmem:s20], [sflag:$0x2] =	stream.indirect.gather [hbm4b:s4+s19], $0x80, s23, s19, $0xb8;
	[tilespmem:$0x1E800] =	vst v63  }
0xbe: {  	_ =	swait.ge [sflag:s21], $0x4000  }
0xbf: {  	[sflag:s21] =	ssyncset.done $0x0  }
0xc0: {  	[sflag:s21] =	ssyncadd.s32 $0xFFFFC000  }
0xc1: {  	[spmem:s1] =	stream.indirect.scatter.add.f32 [tilespmem:s16], [sflag:$0x3], $0x80, s24, s19, $0xb8;
	[tilespmem:$0x1E800] =	vst v63  }
0xc2: {  	_ =	swait.ge [sflag:s17], $0x4000  }
0xc3: {  	[sflag:s17] =	ssyncset.done $0x0  }
0xc4: {  	[sflag:s17] =	ssyncadd.s32 $0xFFFFC000  }
0xc5: {  	_ =	swait.ge [sflag:s22], $0x4000  }
0xc6: {  	[sflag:s22] =	ssyncset.done $0x0  }
0xc7: {  	[sflag:s22] =	ssyncadd.s32 $0xFFFFC000  }
0xc8: {  	[spmem:s1] =	stream.indirect.scatter.add.f32 [tilespmem:s20], [sflag:$0x3], $0x80, s25, s19, $0xb8;
	[tilespmem:$0x1E800] =	vst v63  }
0xc9: {  	_ =	swait.ge [sflag:s17], $0x4000  }
0xca: {  	s3 =	sadd.s32 $0x1, s3;
	s30 =	sshll.u32 s2, $0x6;
	[sflag:s17] =	ssyncset.done $0x0  }
0xcb: {  	p0 =	sne.s32 s3, s7;
	s26 =	sor.u32 $0x1C03, s30;
	[sflag:s17] =	ssyncadd.s32 $0xFFFFC000  }
.Ltmp3:
0xcc: {  	s31 =	sshrl.u32 s5, $0x3;
	[bflag:$0x0] =	sbarrier.arrive $0xFFFF;
	(pc) =	sbr.rel @p0 .LBB2_1-.Ltmp3, $4  }
0xcd: {  	[hbm:s6], [sflag:s26] =	dma.local [spmem:s31], $0x2800  }
0xce: {  	_ =	swait.ge [sflag:s17], $0x2800  }
0xcf: {  	[sflag:s17] =	ssyncset.done $0x0  }
0xd0: {  	[sflag:s17] =	ssyncadd.s32 $0xFFFFD800  }
0xd1: {  	_ =	sfence.sel $0x180000  }
0xd2: {  	[bflag:$0x0] =	sbarrier.arrive $0xFFFF  }
0xd3: {  	p0 =	sne.s32 s2, $0x0;
	_ =	strace $0x9000004A  }
0xd4: {  	s0 =	sadd.s32 @!p0 $0x100000, s0;
	[bflag:$0x2] =	sbarrier.arrive $0xFFFF  }
0xd5: {  	[sflag:s0] =	ssyncadd.tile.s32 @!p0 $0x1;
	_ =	shalt  }
.Lfunc_end2:
_tile_overlayer_lowered:
.L_overlay_start_2:
0xd6: {  	(tag) =	ssettag $0x2  }
0xd7: {  	s0 =	rddreg [dreg:$0x0];
	s2 =	stileid.u32  }
0xd8: {  	s1 =	rddreg [dreg:$0x1];
	p0 =	sne.s32 s2, $0x0  }
0xd9: {  	s3 =	rddreg [dreg:$0x2];
	[bflag:$0x3] =	sbarrier.arrive $0xFFFF;
	s2 =	simm.s32 @!p0 $0x1C03  }
0xda: {  	[timem:s3], [sflag:s2] =	dma.local @!p0 [hbm:s0], s1  }
0xdb: {  	s0 =	simm.s32 @!p0 $0x3  }
0xdc: {  	_ =	swait.ge @!p0 [sflag:s0], s1  }
0xdd: {  	s1 =	ssub.s32 @!p0 $0x0, s1;
	[sflag:s0] =	ssyncset.done @!p0 $0x0  }
0xde: {  	[sflag:s0] =	ssyncadd.s32 @!p0 s1  }
0xdf: {  	[bflag:$0x3] =	sbarrier.arrive $0xFFFF  }
0xe0: {  	_ =	shalt  }

// kernel: kernel.14.cloned.1.call-start
scs
__scs_entry_jumppad:
0x0: {  	(pc) =	sbr.rel $0x88, $3  }
0x1: {  	(tag) =	ssettag $0x0;
	lr =	simm.s32 $0x1  }
0x2: {  	[smem:$0x3F98] =	sst lr;
	_ =	strace $0xD0000000  }
0x3: {  	_ = 	snop  }
0x4: {  	_ = 	snop  }
0x5: {  	_ = 	snop  }
0x6: {  	_ = 	snop  }
0x7: {  	_ = 	snop  }
__scs_overlays_trampoline_lowered:
0x8: {  	[smem:$0x3FA7] =	sst s0  }
0x9: {  	[smem:$0x3FA8] =	sst s1  }
0xa: {  	[smem:$0x3FA9] =	sst s2  }
0xb: {  	[smem:$0x3FAA] =	sst s3  }
0xc: {  	[smem:$0x3FAB] =	sst s4  }
0xd: {  	[smem:$0x3FAC] =	sst s5  }
0xe: {  	[smem:$0x3FAD] =	sst s6  }
0xf: {  	[smem:$0x3FAE] =	sst s7  }
0x10: {  	[smem:$0x3FAF] =	sst s8  }
0x11: {  	[smem:$0x3FB0] =	sst s9;
	s0 =	simm.s32 @!p0 $0x0  }
0x12: {  	s1 =	sld [smem:$0x3F96];
	s0 =	simm.s32 @p0 $0x1  }
0x13: {  	[smem:$0x3FB1] =	sst s0;
	s0 =	simm.s32 @!p1 $0x0  }
0x14: {  	s2 =	sld [smem:$0x3F95];
	s0 =	simm.s32 @p1 $0x1  }
0x15: {  	[smem:$0x3FB2] =	sst s0;
	s0 =	simm.s32 @!p2 $0x0  }
0x16: {  	s3 =	sld [smem:$0x3FDB];
	s0 =	simm.s32 @p2 $0x1  }
0x17: {  	s4 =	simm.s32 $0x1BF5;
	[smem:$0x3FB4] =	sst s0  }
0x18: {  	s0 =	sld [smem:$0x3F97];
	_ =	swait.ge [sflag:s4], $0x0  }
0x19: {  	s7 =	sld [smem:$0x3F98]  }
0x1a: {  	s8 =	sadd.s32 $0xFFFFE003, lr  }
0x1b: {  	s9 =	sadd.s32 $0xFFFFFEF7, lr;
	s5 =	simm.s32 $0xFFFFFFFF;
	p2 =	slt.u32 s8, $0xFFFFF086  }
0x1c: {  	p1 =	slt.u32 s9, $0xF7A;
	s5 =	simm.s32 @!p2 $0x0  }
0x1d: {  	s5 =	simm.s32 @p1 $0x1;
	p0 =	seq.s32 s7, s2  }
0x1e: {  	s7 =	smul.u32 @!p0 $0xF7A, s2;
	p2 =	seq.s32 @!p0 s5, $0x0  }
0x1f: {  	s9 =	smul.u32 $0xF7A, s1;
	s8 =	simm.s32 @!p0 $0x1BF5;
	p2 =	por !p2, p0  }
0x20: {  	[sflag:s8] =	ssyncset.s32 @!p0 $0xFFFFF086;
	s6 =	sadd.s32 @!p0 s3, s7;
	s7 =	simm.s32 @!p0 $0x108  }
0x21: {  	s3 =	sadd.s32 s3, s9;
	s6 =	sadd.s32 @!p0 $0x88, s6;
	s7 =	simm.s32 @p2 $0x1082  }
0x22: {  	[simem:s7], [sflag:s8] =	dma.local @!p0 [hbm:s6], $0xF7A  }
0x23: {  	s9 =	sor.u32 $0xD0000000, s2;
	s6 =	simm.s32 $0x108;
	_ =	swait.ge @!p0 [sflag:s8], $0x0  }
0x24: {  	s3 =	sadd.s32 $0x88, s3;
	s6 =	simm.s32 @!p1 $0x1082;
	[sflag:s4] =	ssyncset.s32 $0xFFFFF086  }
0x25: {  	[simem:s6], [sflag:s4] =	dma.local [hbm:s3], $0xF7A  }
0x26: {  	[smem:$0x3F98] =	sst s1;
	(tag) =	ssettag s2;
	_ =	strace s9  }
0x27: {  	s1 =	sld [smem:$0x3FA8]  }
0x28: {  	s2 =	sld [smem:$0x3FA9]  }
0x29: {  	s4 =	sld [smem:$0x3FAB]  }
0x2a: {  	p0 =	seq.s32 s5, $0x0;
	s5 =	sld [smem:$0x3FAC]  }
0x2b: {  	s6 =	sld [smem:$0x3FAD]  }
0x2c: {  	s7 =	sld [smem:$0x3FAE]  }
0x2d: {  	s3 =	simm.s32 $0x108;
	s8 =	sld [smem:$0x3FAF]  }
0x2e: {  	s3 =	simm.s32 @!p0 $0x1082;
	s9 =	sld [smem:$0x3FB0]  }
0x2f: {  	lr =	sadd.s32 s0, s3;
	s0 =	sld [smem:$0x3FA7]  }
0x30: {  	s3 =	sld [smem:$0x3FAA]  }
0x31: {  	[smem:$0x3FB3] =	sst s10  }
0x32: {  	s10 =	sld [smem:$0x3FB1];
	_ =	sdelay $0x3  }
0x33: {  	p0 =	seq.s32 s10, $0x1;
	s10 =	sld [smem:$0x3FB3];
	_ =	sdelay $0x3  }
0x34: {  	[smem:$0x3FB3] =	sst s10  }
0x35: {  	s10 =	sld [smem:$0x3FB2];
	_ =	sdelay $0x3  }
0x36: {  	p1 =	seq.s32 s10, $0x1;
	s10 =	sld [smem:$0x3FB3];
	_ =	sdelay $0x3  }
0x37: {  	[smem:$0x3FB3] =	sst s10  }
0x38: {  	s10 =	sld [smem:$0x3FB4]  }
0x39: {  	_ = 	snop;
	(pc) =	sbr.ind lr, $3  }
0x3a: {  	_ = 	snop  }
0x3b: {  	_ = 	snop  }
0x3c: {  	p2 =	seq.s32 s10, $0x1;
	s10 =	sld [smem:$0x3FB3]  }
0x3d: {  	_ =	shalt  }
0x3e: {  	_ =	shalt  }
0x3f: {  	_ =	shalt  }
0x40: {  	_ =	shalt  }
0x41: {  	_ =	shalt  }
0x42: {  	_ =	shalt  }
0x43: {  	_ =	shalt  }
0x44: {  	_ =	shalt  }
0x45: {  	_ =	shalt  }
0x46: {  	_ =	shalt  }
0x47: {  	_ =	shalt  }
0x48: {  	_ =	shalt  }
0x49: {  	_ =	shalt  }
0x4a: {  	_ =	shalt  }
0x4b: {  	_ =	shalt  }
0x4c: {  	_ =	shalt  }
0x4d: {  	_ =	shalt  }
0x4e: {  	_ =	shalt  }
0x4f: {  	_ =	shalt  }
0x50: {  	_ =	shalt  }
0x51: {  	_ =	shalt  }
0x52: {  	_ =	shalt  }
0x53: {  	_ =	shalt  }
0x54: {  	_ =	shalt  }
0x55: {  	_ =	shalt  }
0x56: {  	_ =	shalt  }
0x57: {  	_ =	shalt  }
0x58: {  	_ =	shalt  }
0x59: {  	_ =	shalt  }
0x5a: {  	_ =	shalt  }
0x5b: {  	_ =	shalt  }
0x5c: {  	_ =	shalt  }
0x5d: {  	_ =	shalt  }
0x5e: {  	_ =	shalt  }
0x5f: {  	_ =	shalt  }
0x60: {  	_ =	shalt  }
0x61: {  	_ =	shalt  }
0x62: {  	_ =	shalt  }
0x63: {  	_ =	shalt  }
0x64: {  	_ =	shalt  }
0x65: {  	_ =	shalt  }
0x66: {  	_ =	shalt  }
0x67: {  	_ =	shalt  }
0x68: {  	_ =	shalt  }
0x69: {  	_ =	shalt  }
0x6a: {  	_ =	shalt  }
0x6b: {  	_ =	shalt  }
0x6c: {  	_ =	shalt  }
0x6d: {  	_ =	shalt  }
0x6e: {  	_ =	shalt  }
0x6f: {  	_ =	shalt  }
0x70: {  	_ =	shalt  }
0x71: {  	_ =	shalt  }
0x72: {  	_ =	shalt  }
0x73: {  	_ =	shalt  }
0x74: {  	_ =	shalt  }
0x75: {  	_ =	shalt  }
0x76: {  	_ =	shalt  }
0x77: {  	_ =	shalt  }
0x78: {  	_ =	shalt  }
0x79: {  	_ =	shalt  }
0x7a: {  	_ =	shalt  }
0x7b: {  	_ =	shalt  }
0x7c: {  	_ =	shalt  }
0x7d: {  	_ =	shalt  }
0x7e: {  	_ =	shalt  }
0x7f: {  	_ =	shalt  }
0x80: {  	_ =	shalt  }
0x81: {  	_ =	shalt  }
0x82: {  	_ =	shalt  }
0x83: {  	_ =	shalt  }
0x84: {  	_ =	shalt  }
0x85: {  	_ =	shalt  }
0x86: {  	_ =	shalt  }
0x87: {  	_ =	shalt  }
.Lfunc_end0:
.L_simem_size_0:
called_computation.2_lowered:
.L_overlay_start_0:
0x88: {  	s2 =	sld [smem:$0x3FD9]  }
0x89: {  	s3 =	sld [smem:$0x3FFE];
	_ =	sdelay $0x1  }
0x8a: {  	s1 =	srdreg.scid  }
0x8b: {  	s0 =	sand.u32 $0x1, s1  }
0x8c: {  	s16 =	sshll.u32 s0, $0xA;
	s2 =	sadd.s32 s3, s2  }
0x8d: {  	s2 =	sadd.s32 s2, s16  }
0x8e: {  	[smem:$0x3FBF] =	sst s2  }
0x8f: {  	_ = 	snop  }
0x90: {  	(tm) =	ssettm $0x1  }
0x91: {  	s17 =	sld [smem:$0x3FFB];
	_ =	sdelay $0x3  }
0x92: {  	_ =	strace s17  }
0x93: {  	s2 =	sld [smem:$0x3FFC];
	_ =	sdelay $0x3  }
0x94: {  	_ =	strace s2  }
0x95: {  	s2 =	sld [smem:$0x3FFD];
	_ =	sdelay $0x3  }
0x96: {  	_ =	strace s2  }
0x97: {  	_ =	strace $0x8FFFFFFF  }
0x98: {  	s18 =	sld [smem:$0x3FDB];
	_ =	sdelay $0x1  }
0x99: {  	s19 =	simm.s32 $_scs_section_size  }
0x9a: {  	s4 =	simm.s32 $_size__tile_overlayer_lowered;
	s5 =	simm.s32 $_tile_overlayer_lowered  }
0x9b: {  	s22 =	simm.s32 $0x1BFF;
	s21 =	sshll.u32 s5, $0x1;
	s2 =	sadd.s32 s19, s18  }
0x9c: {  	s6 =	simm.s32 $0x0;
	s20 =	sshll.u32 s4, $0x1;
	s4 =	sadd.s32 s21, s2  }
0x9d: {  	[timem:s6], [sflag:s22] =	dma.local [hbm:s4], s20  }
0x9e: {  	_ =	swait.ge [sflag:s22], s20  }
0x9f: {  	s3 =	ssub.s32 $0x0, s20;
	[sflag:s22] =	ssyncset.done $0x0  }
0xa0: {  	[sflag:s22] =	ssyncadd.s32 s3;
	_ =	sdelay $0x1  }
0xa1: {  	s23 =	simm.s32 $0x1B8B  }
0xa2: {  	_ =	swait.ge [sflag:s23], $0x1  }
0xa3: {  	[sflag:s23] =	ssyncset.done $0x0  }
0xa4: {  	s25 =	simm.s32 $0x1B8E;
	s24 =	sld [smem:$0x3FFE];
	[sflag:s23] =	ssyncadd.s32 $0xFFFFFFFF  }
0xa5: {  	s26 =	simm.s32 $execute0_lowered;
	[smem:$0x3FD2] =	sst s25  }
0xa6: {  	s4 =	sshll.u32 s26, $0x1;
	_ =	strace $0x8000004C;
	[dreg:$0x1] =	wrdreg $0xFFFFFFFF  }
0xa7: {  	s28 =	simm.s32 $_size_execute0_lowered;
	s2 =	sadd.s32 s2, s4;
	[dreg:$0x0] =	wrdreg $0x0  }
0xa8: {  	s4 =	sshll.u32 s28, $0x1;
	[dreg:$0x2] =	wrdreg s2  }
0xa9: {  	[dreg:$0x3] =	wrdreg s4  }
0xaa: {  	[dreg:$0x4] =	wrdreg $0xC0  }
0xab: {  	_ =	task [dreg:s6], $0x5FFFF  }
0xac: {  	[dreg:$0x1] =	wrdreg $0xFFFFFFFF  }
0xad: {  	[dreg:$0x0] =	wrdreg $0x60  }
0xae: {  	[dreg:$0x2] =	wrdreg s24  }
0xaf: {  	[dreg:$0x3] =	wrdreg $0xA8000  }
0xb0: {  	[dreg:$0x4] =	wrdreg $0x9  }
0xb1: {  	_ =	task.clear_ibuf [dreg:s6], $0x5FFFF;
	_ =	strace $0x9000004C  }
0xb2: {  	s29 =	simm.s32 $0x9;
	_ =	strace $0x8000004E  }
0xb3: {  	_ =	swait.ge [sflag:s29], $0x1  }
0xb4: {  	[sflag:s29] =	ssyncadd.s32 $0xFFFFFFFF  }
0xb5: {  	_ =	strace $0x9000004E  }
0xb6: {  	_ =	sfence  }
0xb7: {  	s30 =	sld [smem:$0x0];
	_ =	sdelay $0x2  }
0xb8: {  	s31 =	sshll.u32 s1, $0xD;
	s1 =	sshrl.u32 s1, $0x2  }
0xb9: {  	s3 =	sand.u32 $0x4000, s31;
	s1 =	sadd.s32 s1, s30  }
0xba: {  	s0 =	sor.u32 s3, s0;
	s1 =	sshll.u32 s1, $0x11  }
0xbb: {  	s0 =	sor.u32 s1, s0  }
0xbc: {  	s0 =	sadd.s32 $0x8F2B, s0  }
0xbd: {  	[sflag:s0] =	ssyncadd.remote.s32 $0x1  }
0xbe: {  	_ =	sfence.sel $0xFFFF  }
0xbf: {  	[dreg:$0x0] =	wrdreg $0xFFFFFFFF;
	(pc) =	sbr.abs _section_cstart, $3  }
0xc0: {  	[dreg:$0x1] =	wrdreg $0xFFFFFFFF  }
0xc1: {  	_ =	task.clear_ibuf [dreg:s6], $0x2FFFF;
	_ =	strace $0x9FFFFFFF  }
0xc2: {  	(tm) =	ssettm $0x7FFFFFFF  }
0xc3: {  	_ =	shalt  }
tec
execute0_lowered:
.L_overlay_start_1:
0x0: {  	(tag) =	ssettag $0x1  }
0x1: {  	s5 =	rddreg [dreg:$0x0]  }
0x2: {  	s1 =	rddreg [dreg:$0x1];
	s2 =	srdreg.scid  }
0x3: {  	s0 =	rddreg [dreg:$0x2];
	s3 =	simm.s32 $0x0;
	s17 =	simm.s32 $0x3  }
0x4: {  	s18 =	simm.s32 $0x1400;
	s19 =	simm.s32 $0x80;
	s20 =	simm.s32 $0x6800  }
0x5: {  	s21 =	simm.s32 $0x1;
	s22 =	simm.s32 $0x2;
	s23 =	simm.s32 $0x1380  }
0x6: {  	s24 =	simm.s32 $0x2700;
	s25 =	simm.s32 $0x2780;
	s6 =	sand.u32 $0x1, s2  }
0x7: {  	s2 =	stileid.u32;
	[smem:$0x7FF] =	sst s3;
	s4 =	sadd.s32 $0x17600, s5  }
0x8: {  	s14 =	sadd.s32 $0xD600, s5;
	s15 =	sadd.s32 $0x2C00, s5;
	s7 =	smul.u32 $0x140000, s6  }
0x9: {  	s8 =	smul.u32 $0x14000, s2;
	s29 =	ssub.s32 $0x2, s6;
	s6 =	sshll.u32 s6, $0x4  }
0xa: {  	_ =	strace $0x8000004D;
	s9 =	smul.u32 $0x50000, s2;
	s6 =	sor.u32 s2, s6  }
0xb: {  	s30 =	sshrl.u32 s29, $0x1;
	s7 =	sadd.s32 s8, s7;
	s12 =	smul.u32 $0x2800, s6  }
0xc: {  	s8 =	ssub.s32 s29, s30;
	s31 =	sshrl.u32 s9, $0x2;
	s7 =	sshrl.u32 s7, $0x3  }
0xd: {  	s7 =	sadd.s32 s7, s5;
	s5 =	sadd.s32 s31, s1;
	s16 =	sshrl.u32 s12, $0x3  }
0xe: {  	s6 =	sadd.s32 $0x3F600, s7;
	s7 =	smax.u32 s8, $0x1;
	s8 =	sadd.s32 $0x4000, s5  }
0xf: {  	s9 =	sadd.s32 $0x8000, s5;
	s10 =	sadd.s32 $0xC000, s5;
	s11 =	sadd.s32 $0x10000, s5  }
0x10: {  	s12 =	sadd.s32 s14, s16;
	s13 =	sadd.s32 s15, s16;
	s16 =	sadd.s32 $0x280, s16  }
0x11: {  	v0 =	vimm.f32 $0.0e+00;
	s14 =	sadd.s32 s14, s16;
	s15 =	sadd.s32 s15, s16;
	s16 =	simm.s32 $0x2800  }
.LBB2_1:
0x12: {  	s26 =	simm.s32 $0x0;
	s28 =	simm.s32 $0x200  }
.LBB2_2:
0x13: {  	p0 =	sne.s32 s28, $0xFE00;
	[tilespmem:s26+$0x2870] =	vst v0  }
0x14: {  	[tilespmem:s26+$0x2800] =	vst v0  }
0x15: {  	[tilespmem:s26+$0x2810] =	vst v0  }
.Ltmp0:
0x16: {  	[tilespmem:s26+$0x2820] =	vst v0;
	(pc) =	sbr.rel @p0 .LBB2_2-.Ltmp0, $4  }
0x17: {  	[tilespmem:s26+$0x2830] =	vst v0  }
0x18: {  	[tilespmem:s26+$0x2840] =	vst v0  }
0x19: {  	[tilespmem:s26+$0x2850] =	vst v0  }
0x1a: {  	[tilespmem:s26+$0x2860] =	vst v0;
	s26 =	sshra.s32 s28, $0x2;
	s28 =	sadd.s32 $0x200, s28  }
0x1b: {  	[tilespmem:s26+$0x2870] =	vst v0  }
0x1c: {  	[tilespmem:s26+$0x2800] =	vst v0  }
0x1d: {  	[tilespmem:s26+$0x2810] =	vst v0  }
0x1e: {  	[tilespmem:s26+$0x2820] =	vst v0  }
0x1f: {  	[tilespmem:s26+$0x2830] =	vst v0  }
0x20: {  	[tilespmem:s26+$0x2840] =	vst v0  }
0x21: {  	[tilespmem:s26+$0x2850] =	vst v0  }
0x22: {  	[tilespmem:s26+$0x2860] =	vst v0  }
0x23: {  	[spmem:s5] =	stream.linear.scatter [tilespmem:s16], [sflag:$0x3], $0x4000, $0x38;
	[tilespmem:$0x1E800] =	vst v63  }
0x24: {  	_ =	swait.ge [sflag:s17], $0x4000  }
0x25: {  	[sflag:s17] =	ssyncset.done $0x0  }
0x26: {  	[sflag:s17] =	ssyncadd.s32 $0xFFFFC000  }
0x27: {  	[spmem:s8] =	stream.linear.scatter [tilespmem:s16], [sflag:$0x3], $0x4000, $0x38;
	[tilespmem:$0x1E800] =	vst v63  }
0x28: {  	_ =	swait.ge [sflag:s17], $0x4000  }
0x29: {  	[sflag:s17] =	ssyncset.done $0x0  }
0x2a: {  	[sflag:s17] =	ssyncadd.s32 $0xFFFFC000  }
0x2b: {  	[spmem:s9] =	stream.linear.scatter [tilespmem:s16], [sflag:$0x3], $0x4000, $0x38;
	[tilespmem:$0x1E800] =	vst v63  }
0x2c: {  	_ =	swait.ge [sflag:s17], $0x4000  }
0x2d: {  	[sflag:s17] =	ssyncset.done $0x0  }
0x2e: {  	[sflag:s17] =	ssyncadd.s32 $0xFFFFC000  }
0x2f: {  	[spmem:s10] =	stream.linear.scatter [tilespmem:s16], [sflag:$0x3], $0x4000, $0x38;
	[tilespmem:$0x1E800] =	vst v63  }
0x30: {  	_ =	swait.ge [sflag:s17], $0x4000  }
0x31: {  	[sflag:s17] =	ssyncset.done $0x0  }
0x32: {  	[sflag:s17] =	ssyncadd.s32 $0xFFFFC000  }
0x33: {  	[spmem:s11] =	stream.linear.scatter [tilespmem:s16], [sflag:$0x3], $0x4000, $0x38;
	[tilespmem:$0x1E800] =	vst v63  }
0x34: {  	_ =	swait.ge [sflag:s17], $0x4000  }
0x35: {  	[sflag:s17] =	ssyncset.done $0x0  }
0x36: {  	[sflag:s17] =	ssyncadd.s32 $0xFFFFC000  }
0x37: {  	s30 =	simm.s32 $0x0;
	[bflag:$0x0] =	sbarrier.arrive $0xFFFF  }
0x38: {  	[tilespmem:s30], [sflag:$0x3] =	stream.linear.gather [hbm4b:s12+s30], $0x1400, $0x38;
	[tilespmem:$0x1E800] =	vst v63  }
0x39: {  	_ =	swait.ge [sflag:s17], $0x1400  }
0x3a: {  	[sflag:s17] =	ssyncset.done $0x0  }
0x3b: {  	[sflag:s17] =	ssyncadd.s32 $0xFFFFEC00  }
0x3c: {  	[tilespmem:s18], [sflag:$0x3] =	stream.linear.gather [hbm4b:s13+s30], $0x1400, $0x38;
	[tilespmem:$0x1E800] =	vst v63  }
0x3d: {  	_ =	swait.ge [sflag:s17], $0x1400  }
0x3e: {  	[sflag:s17] =	ssyncset.done $0x0  }
0x3f: {  	[sflag:s17] =	ssyncadd.s32 $0xFFFFEC00  }
0x40: {  	[tilespmem:s16], [sflag:$0x1] =	stream.indirect.gather [hbm4b:s4+s19], $0x80, s30, s19, $0xb8;
	[tilespmem:$0x1E800] =	vst v63  }
0x41: {  	s31 =	simm.s32 $0x80  }
0x42: {  	[tilespmem:s20], [sflag:$0x2] =	stream.indirect.gather [hbm4b:s4+s19], $0x80, s31, s19, $0xb8;
	[tilespmem:$0x1E800] =	vst v63  }
0x43: {  	_ =	swait.ge [sflag:s21], $0x4000  }
0x44: {  	[sflag:s21] =	ssyncset.done $0x0  }
0x45: {  	s29 =	simm.s32 $0x1400;
	[sflag:s21] =	ssyncadd.s32 $0xFFFFC000  }
0x46: {  	[spmem:s1] =	stream.indirect.scatter.add.f32 [tilespmem:s16], [sflag:$0x3], $0x80, s29, s19, $0xb8;
	[tilespmem:$0x1E800] =	vst v63  }
0x47: {  	_ =	swait.ge [sflag:s17], $0x4000  }
0x48: {  	[sflag:s17] =	ssyncset.done $0x0  }
0x49: {  	s30 =	simm.s32 $0x100;
	[sflag:s17] =	ssyncadd.s32 $0xFFFFC000  }
0x4a: {  	[tilespmem:s16], [sflag:$0x1] =	stream.indirect.gather [hbm4b:s4+s19], $0x80, s30, s19, $0xb8;
	[tilespmem:$0x1E800] =	vst v63  }
0x4b: {  	_ =	swait.ge [sflag:s22], $0x4000  }
0x4c: {  	[sflag:s22] =	ssyncset.done $0x0  }
0x4d: {  	s31 =	simm.s32 $0x1480;
	[sflag:s22] =	ssyncadd.s32 $0xFFFFC000  }
0x4e: {  	[spmem:s1] =	stream.indirect.scatter.add.f32 [tilespmem:s20], [sflag:$0x3], $0x80, s31, s19, $0xb8;
	[tilespmem:$0x1E800] =	vst v63  }
0x4f: {  	_ =	swait.ge [sflag:s17], $0x4000  }
0x50: {  	s28 =	simm.s32 $0x800;
	s26 =	simm.s32 $0x100;
	[sflag:s17] =	ssyncset.done $0x0  }
.LBB2_4:
0x51: {  	s29 =	sadd.s32 $0x80, s26  }
0x52: {  	[sflag:s17] =	ssyncadd.s32 $0xFFFFC000;
	s30 =	smov.u32 s28;
	s31 =	sadd.s32 $0x400, s28  }
0x53: {  	[tilespmem:s20], [sflag:$0x2] =	stream.indirect.gather [hbm4b:s4+s19], $0x80, s29, s19, $0xb8;
	[tilespmem:$0x1E800] =	vst v63  }
0x54: {  	p0 =	sne.s32 s28, $0x4800;
	_ =	swait.ge [sflag:s21], $0x4000  }
0x55: {  	[sflag:s21] =	ssyncset.done $0x0  }
0x56: {  	s28 =	sadd.s32 $0x1400, s26;
	[sflag:s21] =	ssyncadd.s32 $0xFFFFC000  }
0x57: {  	[spmem:s1] =	stream.indirect.scatter.add.f32 [tilespmem:s16], [sflag:$0x3], $0x80, s28, s19, $0xb8;
	[tilespmem:$0x1E800] =	vst v63  }
0x58: {  	_ =	swait.ge [sflag:s17], $0x4000  }
0x59: {  	[sflag:s17] =	ssyncset.done $0x0  }
0x5a: {  	s28 =	sadd.s32 $0x100, s26;
	[sflag:s17] =	ssyncadd.s32 $0xFFFFC000  }
0x5b: {  	[tilespmem:s16], [sflag:$0x1] =	stream.indirect.gather [hbm4b:s4+s19], $0x80, s28, s19, $0xb8;
	[tilespmem:$0x1E800] =	vst v63  }
0x5c: {  	_ =	swait.ge [sflag:s22], $0x4000  }
.Ltmp1:
0x5d: {  	[sflag:s22] =	ssyncset.done $0x0;
	(pc) =	sbr.rel @p0 .LBB2_4-.Ltmp1, $4  }
0x5e: {  	s26 =	sadd.s32 $0x1480, s26;
	[sflag:s22] =	ssyncadd.s32 $0xFFFFC000  }
0x5f: {  	[spmem:s1] =	stream.indirect.scatter.add.f32 [tilespmem:s20], [sflag:$0x3], $0x80, s26, s19, $0xb8;
	[tilespmem:$0x1E800] =	vst v63  }
0x60: {  	_ =	swait.ge [sflag:s17], $0x4000  }
0x61: {  	s28 =	smov.u32 s31;
	s26 =	sshra.s32 s30, $0x2;
	[sflag:s17] =	ssyncset.done $0x0  }
0x62: {  	s28 =	sadd.s32 $0x80, s26;
	[sflag:s17] =	ssyncadd.s32 $0xFFFFC000  }
0x63: {  	[tilespmem:s20], [sflag:$0x2] =	stream.indirect.gather [hbm4b:s4+s19], $0x80, s28, s19, $0xb8;
	[tilespmem:$0x1E800] =	vst v63  }
0x64: {  	_ =	swait.ge [sflag:s21], $0x4000  }
0x65: {  	[sflag:s21] =	ssyncset.done $0x0  }
0x66: {  	s28 =	sadd.s32 $0x1400, s26;
	[sflag:s21] =	ssyncadd.s32 $0xFFFFC000  }
0x67: {  	[spmem:s1] =	stream.indirect.scatter.add.f32 [tilespmem:s16], [sflag:$0x3], $0x80, s28, s19, $0xb8;
	[tilespmem:$0x1E800] =	vst v63  }
0x68: {  	_ =	swait.ge [sflag:s17], $0x4000  }
0x69: {  	[sflag:s17] =	ssyncset.done $0x0  }
0x6a: {  	s28 =	sadd.s32 $0x100, s26;
	[sflag:s17] =	ssyncadd.s32 $0xFFFFC000  }
0x6b: {  	[tilespmem:s16], [sflag:$0x1] =	stream.indirect.gather [hbm4b:s4+s19], $0x80, s28, s19, $0xb8;
	[tilespmem:$0x1E800] =	vst v63  }
0x6c: {  	_ =	swait.ge [sflag:s22], $0x4000  }
0x6d: {  	[sflag:s22] =	ssyncset.done $0x0  }
0x6e: {  	s29 =	sadd.s32 $0x1480, s26;
	[sflag:s22] =	ssyncadd.s32 $0xFFFFC000  }
0x6f: {  	[spmem:s1] =	stream.indirect.scatter.add.f32 [tilespmem:s20], [sflag:$0x3], $0x80, s29, s19, $0xb8;
	[tilespmem:$0x1E800] =	vst v63  }
0x70: {  	_ =	swait.ge [sflag:s17], $0x4000  }
0x71: {  	[sflag:s17] =	ssyncset.done $0x0  }
0x72: {  	[sflag:s17] =	ssyncadd.s32 $0xFFFFC000  }
0x73: {  	[tilespmem:s20], [sflag:$0x2] =	stream.indirect.gather [hbm4b:s4+s19], $0x80, s23, s19, $0xb8;
	[tilespmem:$0x1E800] =	vst v63  }
0x74: {  	_ =	swait.ge [sflag:s21], $0x4000  }
0x75: {  	[sflag:s21] =	ssyncset.done $0x0  }
0x76: {  	[sflag:s21] =	ssyncadd.s32 $0xFFFFC000  }
0x77: {  	[spmem:s1] =	stream.indirect.scatter.add.f32 [tilespmem:s16], [sflag:$0x3], $0x80, s24, s19, $0xb8;
	[tilespmem:$0x1E800] =	vst v63  }
0x78: {  	_ =	swait.ge [sflag:s17], $0x4000  }
0x79: {  	[sflag:s17] =	ssyncset.done $0x0  }
0x7a: {  	[sflag:s17] =	ssyncadd.s32 $0xFFFFC000  }
0x7b: {  	_ =	swait.ge [sflag:s22], $0x4000  }
0x7c: {  	[sflag:s22] =	ssyncset.done $0x0  }
0x7d: {  	[sflag:s22] =	ssyncadd.s32 $0xFFFFC000  }
0x7e: {  	[spmem:s1] =	stream.indirect.scatter.add.f32 [tilespmem:s20], [sflag:$0x3], $0x80, s25, s19, $0xb8;
	[tilespmem:$0x1E800] =	vst v63  }
0x7f: {  	_ =	swait.ge [sflag:s17], $0x4000  }
0x80: {  	[sflag:s17] =	ssyncset.done $0x0  }
0x81: {  	s30 =	simm.s32 $0x0;
	[sflag:s17] =	ssyncadd.s32 $0xFFFFC000  }
0x82: {  	[tilespmem:s30], [sflag:$0x3] =	stream.linear.gather [hbm4b:s14+s30], $0x1400, $0x38;
	[tilespmem:$0x1E800] =	vst v63  }
0x83: {  	_ =	swait.ge [sflag:s17], $0x1400  }
0x84: {  	[sflag:s17] =	ssyncset.done $0x0  }
0x85: {  	[sflag:s17] =	ssyncadd.s32 $0xFFFFEC00  }
0x86: {  	[tilespmem:s18], [sflag:$0x3] =	stream.linear.gather [hbm4b:s15+s30], $0x1400, $0x38;
	[tilespmem:$0x1E800] =	vst v63  }
0x87: {  	_ =	swait.ge [sflag:s17], $0x1400  }
0x88: {  	[sflag:s17] =	ssyncset.done $0x0  }
0x89: {  	[sflag:s17] =	ssyncadd.s32 $0xFFFFEC00  }
0x8a: {  	[tilespmem:s16], [sflag:$0x1] =	stream.indirect.gather [hbm4b:s4+s19], $0x80, s30, s19, $0xb8;
	[tilespmem:$0x1E800] =	vst v63  }
0x8b: {  	s31 =	simm.s32 $0x80  }
0x8c: {  	[tilespmem:s20], [sflag:$0x2] =	stream.indirect.gather [hbm4b:s4+s19], $0x80, s31, s19, $0xb8;
	[tilespmem:$0x1E800] =	vst v63  }
0x8d: {  	_ =	swait.ge [sflag:s21], $0x4000  }
0x8e: {  	[sflag:s21] =	ssyncset.done $0x0  }
0x8f: {  	s29 =	simm.s32 $0x1400;
	[sflag:s21] =	ssyncadd.s32 $0xFFFFC000  }
0x90: {  	[spmem:s1] =	stream.indirect.scatter.add.f32 [tilespmem:s16], [sflag:$0x3], $0x80, s29, s19, $0xb8;
	[tilespmem:$0x1E800] =	vst v63  }
0x91: {  	_ =	swait.ge [sflag:s17], $0x4000  }
0x92: {  	[sflag:s17] =	ssyncset.done $0x0  }
0x93: {  	s30 =	simm.s32 $0x100;
	[sflag:s17] =	ssyncadd.s32 $0xFFFFC000  }
0x94: {  	[tilespmem:s16], [sflag:$0x1] =	stream.indirect.gather [hbm4b:s4+s19], $0x80, s30, s19, $0xb8;
	[tilespmem:$0x1E800] =	vst v63  }
0x95: {  	_ =	swait.ge [sflag:s22], $0x4000  }
0x96: {  	[sflag:s22] =	ssyncset.done $0x0  }
0x97: {  	s31 =	simm.s32 $0x1480;
	[sflag:s22] =	ssyncadd.s32 $0xFFFFC000  }
0x98: {  	[spmem:s1] =	stream.indirect.scatter.add.f32 [tilespmem:s20], [sflag:$0x3], $0x80, s31, s19, $0xb8;
	[tilespmem:$0x1E800] =	vst v63  }
0x99: {  	_ =	swait.ge [sflag:s17], $0x4000  }
0x9a: {  	s26 =	simm.s32 $0x100;
	s28 =	simm.s32 $0x800;
	[sflag:s17] =	ssyncset.done $0x0  }
.LBB2_6:
0x9b: {  	s29 =	sadd.s32 $0x80, s26  }
0x9c: {  	[sflag:s17] =	ssyncadd.s32 $0xFFFFC000;
	s30 =	smov.u32 s28;
	s31 =	sadd.s32 $0x400, s28  }
0x9d: {  	[tilespmem:s20], [sflag:$0x2] =	stream.indirect.gather [hbm4b:s4+s19], $0x80, s29, s19, $0xb8;
	[tilespmem:$0x1E800] =	vst v63  }
0x9e: {  	p0 =	sne.s32 s28, $0x4800;
	_ =	swait.ge [sflag:s21], $0x4000  }
0x9f: {  	[sflag:s21] =	ssyncset.done $0x0  }
0xa0: {  	s28 =	sadd.s32 $0x1400, s26;
	[sflag:s21] =	ssyncadd.s32 $0xFFFFC000  }
0xa1: {  	[spmem:s1] =	stream.indirect.scatter.add.f32 [tilespmem:s16], [sflag:$0x3], $0x80, s28, s19, $0xb8;
	[tilespmem:$0x1E800] =	vst v63  }
0xa2: {  	_ =	swait.ge [sflag:s17], $0x4000  }
0xa3: {  	[sflag:s17] =	ssyncset.done $0x0  }
0xa4: {  	s28 =	sadd.s32 $0x100, s26;
	[sflag:s17] =	ssyncadd.s32 $0xFFFFC000  }
0xa5: {  	[tilespmem:s16], [sflag:$0x1] =	stream.indirect.gather [hbm4b:s4+s19], $0x80, s28, s19, $0xb8;
	[tilespmem:$0x1E800] =	vst v63  }
0xa6: {  	_ =	swait.ge [sflag:s22], $0x4000  }
.Ltmp2:
0xa7: {  	[sflag:s22] =	ssyncset.done $0x0;
	(pc) =	sbr.rel @p0 .LBB2_6-.Ltmp2, $4  }
0xa8: {  	s26 =	sadd.s32 $0x1480, s26;
	[sflag:s22] =	ssyncadd.s32 $0xFFFFC000  }
0xa9: {  	[spmem:s1] =	stream.indirect.scatter.add.f32 [tilespmem:s20], [sflag:$0x3], $0x80, s26, s19, $0xb8;
	[tilespmem:$0x1E800] =	vst v63  }
0xaa: {  	_ =	swait.ge [sflag:s17], $0x4000  }
0xab: {  	s28 =	smov.u32 s31;
	s26 =	sshra.s32 s30, $0x2;
	[sflag:s17] =	ssyncset.done $0x0  }
0xac: {  	s28 =	sadd.s32 $0x80, s26;
	[sflag:s17] =	ssyncadd.s32 $0xFFFFC000  }
0xad: {  	[tilespmem:s20], [sflag:$0x2] =	stream.indirect.gather [hbm4b:s4+s19], $0x80, s28, s19, $0xb8;
	[tilespmem:$0x1E800] =	vst v63  }
0xae: {  	_ =	swait.ge [sflag:s21], $0x4000  }
0xaf: {  	[sflag:s21] =	ssyncset.done $0x0  }
0xb0: {  	s30 =	sadd.s32 $0x1400, s26;
	[sflag:s21] =	ssyncadd.s32 $0xFFFFC000  }
0xb1: {  	[spmem:s1] =	stream.indirect.scatter.add.f32 [tilespmem:s16], [sflag:$0x3], $0x80, s30, s19, $0xb8;
	[tilespmem:$0x1E800] =	vst v63  }
0xb2: {  	_ =	swait.ge [sflag:s17], $0x4000  }
0xb3: {  	[sflag:s17] =	ssyncset.done $0x0  }
0xb4: {  	s31 =	sadd.s32 $0x100, s26;
	[sflag:s17] =	ssyncadd.s32 $0xFFFFC000  }
0xb5: {  	[tilespmem:s16], [sflag:$0x1] =	stream.indirect.gather [hbm4b:s4+s19], $0x80, s31, s19, $0xb8;
	[tilespmem:$0x1E800] =	vst v63  }
0xb6: {  	_ =	swait.ge [sflag:s22], $0x4000  }
0xb7: {  	[sflag:s22] =	ssyncset.done $0x0  }
0xb8: {  	s29 =	sadd.s32 $0x1480, s26;
	[sflag:s22] =	ssyncadd.s32 $0xFFFFC000  }
0xb9: {  	[spmem:s1] =	stream.indirect.scatter.add.f32 [tilespmem:s20], [sflag:$0x3], $0x80, s29, s19, $0xb8;
	[tilespmem:$0x1E800] =	vst v63  }
0xba: {  	_ =	swait.ge [sflag:s17], $0x4000  }
0xbb: {  	[sflag:s17] =	ssyncset.done $0x0  }
0xbc: {  	[sflag:s17] =	ssyncadd.s32 $0xFFFFC000  }
0xbd: {  	[tilespmem:s20], [sflag:$0x2] =	stream.indirect.gather [hbm4b:s4+s19], $0x80, s23, s19, $0xb8;
	[tilespmem:$0x1E800] =	vst v63  }
0xbe: {  	_ =	swait.ge [sflag:s21], $0x4000  }
0xbf: {  	[sflag:s21] =	ssyncset.done $0x0  }
0xc0: {  	[sflag:s21] =	ssyncadd.s32 $0xFFFFC000  }
0xc1: {  	[spmem:s1] =	stream.indirect.scatter.add.f32 [tilespmem:s16], [sflag:$0x3], $0x80, s24, s19, $0xb8;
	[tilespmem:$0x1E800] =	vst v63  }
0xc2: {  	_ =	swait.ge [sflag:s17], $0x4000  }
0xc3: {  	[sflag:s17] =	ssyncset.done $0x0  }
0xc4: {  	[sflag:s17] =	ssyncadd.s32 $0xFFFFC000  }
0xc5: {  	_ =	swait.ge [sflag:s22], $0x4000  }
0xc6: {  	[sflag:s22] =	ssyncset.done $0x0  }
0xc7: {  	[sflag:s22] =	ssyncadd.s32 $0xFFFFC000  }
0xc8: {  	[spmem:s1] =	stream.indirect.scatter.add.f32 [tilespmem:s20], [sflag:$0x3], $0x80, s25, s19, $0xb8;
	[tilespmem:$0x1E800] =	vst v63  }
0xc9: {  	_ =	swait.ge [sflag:s17], $0x4000  }
0xca: {  	s3 =	sadd.s32 $0x1, s3;
	s30 =	sshll.u32 s2, $0x6;
	[sflag:s17] =	ssyncset.done $0x0  }
0xcb: {  	p0 =	sne.s32 s3, s7;
	s26 =	sor.u32 $0x1C03, s30;
	[sflag:s17] =	ssyncadd.s32 $0xFFFFC000  }
.Ltmp3:
0xcc: {  	s31 =	sshrl.u32 s5, $0x3;
	[bflag:$0x0] =	sbarrier.arrive $0xFFFF;
	(pc) =	sbr.rel @p0 .LBB2_1-.Ltmp3, $4  }
0xcd: {  	[hbm:s6], [sflag:s26] =	dma.local [spmem:s31], $0x2800  }
0xce: {  	_ =	swait.ge [sflag:s17], $0x2800  }
0xcf: {  	[sflag:s17] =	ssyncset.done $0x0  }
0xd0: {  	[sflag:s17] =	ssyncadd.s32 $0xFFFFD800  }
0xd1: {  	_ =	sfence.sel $0x180000  }
0xd2: {  	[bflag:$0x0] =	sbarrier.arrive $0xFFFF  }
0xd3: {  	p0 =	sne.s32 s2, $0x0;
	_ =	strace $0x9000004D  }
0xd4: {  	s0 =	sadd.s32 @!p0 $0x100000, s0;
	[bflag:$0x2] =	sbarrier.arrive $0xFFFF  }
0xd5: {  	[sflag:s0] =	ssyncadd.tile.s32 @!p0 $0x1;
	_ =	shalt  }
.Lfunc_end2:
_tile_overlayer_lowered:
.L_overlay_start_2:
0xd6: {  	(tag) =	ssettag $0x2  }
0xd7: {  	s0 =	rddreg [dreg:$0x0];
	s2 =	stileid.u32  }
0xd8: {  	s1 =	rddreg [dreg:$0x1];
	p0 =	sne.s32 s2, $0x0  }
0xd9: {  	s3 =	rddreg [dreg:$0x2];
	[bflag:$0x3] =	sbarrier.arrive $0xFFFF;
	s2 =	simm.s32 @!p0 $0x1C03  }
0xda: {  	[timem:s3], [sflag:s2] =	dma.local @!p0 [hbm:s0], s1  }
0xdb: {  	s0 =	simm.s32 @!p0 $0x3  }
0xdc: {  	_ =	swait.ge @!p0 [sflag:s0], s1  }
0xdd: {  	s1 =	ssub.s32 @!p0 $0x0, s1;
	[sflag:s0] =	ssyncset.done @!p0 $0x0  }
0xde: {  	[sflag:s0] =	ssyncadd.s32 @!p0 s1  }
0xdf: {  	[bflag:$0x3] =	sbarrier.arrive $0xFFFF  }
0xe0: {  	_ =	shalt  }

// kernel: kernel.8.cloned.1.call-start
scs
__scs_entry_jumppad:
0x0: {  	(pc) =	sbr.rel $0x88, $3  }
0x1: {  	(tag) =	ssettag $0x0;
	lr =	simm.s32 $0x1  }
0x2: {  	[smem:$0x3F98] =	sst lr;
	_ =	strace $0xD0000000  }
0x3: {  	_ = 	snop  }
0x4: {  	_ = 	snop  }
0x5: {  	_ = 	snop  }
0x6: {  	_ = 	snop  }
0x7: {  	_ = 	snop  }
__scs_overlays_trampoline_lowered:
0x8: {  	[smem:$0x3FA7] =	sst s0  }
0x9: {  	[smem:$0x3FA8] =	sst s1  }
0xa: {  	[smem:$0x3FA9] =	sst s2  }
0xb: {  	[smem:$0x3FAA] =	sst s3  }
0xc: {  	[smem:$0x3FAB] =	sst s4  }
0xd: {  	[smem:$0x3FAC] =	sst s5  }
0xe: {  	[smem:$0x3FAD] =	sst s6  }
0xf: {  	[smem:$0x3FAE] =	sst s7  }
0x10: {  	[smem:$0x3FAF] =	sst s8  }
0x11: {  	[smem:$0x3FB0] =	sst s9;
	s0 =	simm.s32 @!p0 $0x0  }
0x12: {  	s1 =	sld [smem:$0x3F96];
	s0 =	simm.s32 @p0 $0x1  }
0x13: {  	[smem:$0x3FB1] =	sst s0;
	s0 =	simm.s32 @!p1 $0x0  }
0x14: {  	s2 =	sld [smem:$0x3F95];
	s0 =	simm.s32 @p1 $0x1  }
0x15: {  	[smem:$0x3FB2] =	sst s0;
	s0 =	simm.s32 @!p2 $0x0  }
0x16: {  	s3 =	sld [smem:$0x3FDB];
	s0 =	simm.s32 @p2 $0x1  }
0x17: {  	s4 =	simm.s32 $0x1BF5;
	[smem:$0x3FB4] =	sst s0  }
0x18: {  	s0 =	sld [smem:$0x3F97];
	_ =	swait.ge [sflag:s4], $0x0  }
0x19: {  	s7 =	sld [smem:$0x3F98]  }
0x1a: {  	s8 =	sadd.s32 $0xFFFFE003, lr  }
0x1b: {  	s9 =	sadd.s32 $0xFFFFFEF7, lr;
	s5 =	simm.s32 $0xFFFFFFFF;
	p2 =	slt.u32 s8, $0xFFFFF086  }
0x1c: {  	p1 =	slt.u32 s9, $0xF7A;
	s5 =	simm.s32 @!p2 $0x0  }
0x1d: {  	s5 =	simm.s32 @p1 $0x1;
	p0 =	seq.s32 s7, s2  }
0x1e: {  	s7 =	smul.u32 @!p0 $0xF7A, s2;
	p2 =	seq.s32 @!p0 s5, $0x0  }
0x1f: {  	s9 =	smul.u32 $0xF7A, s1;
	s8 =	simm.s32 @!p0 $0x1BF5;
	p2 =	por !p2, p0  }
0x20: {  	[sflag:s8] =	ssyncset.s32 @!p0 $0xFFFFF086;
	s6 =	sadd.s32 @!p0 s3, s7;
	s7 =	simm.s32 @!p0 $0x108  }
0x21: {  	s3 =	sadd.s32 s3, s9;
	s6 =	sadd.s32 @!p0 $0x88, s6;
	s7 =	simm.s32 @p2 $0x1082  }
0x22: {  	[simem:s7], [sflag:s8] =	dma.local @!p0 [hbm:s6], $0xF7A  }
0x23: {  	s9 =	sor.u32 $0xD0000000, s2;
	s6 =	simm.s32 $0x108;
	_ =	swait.ge @!p0 [sflag:s8], $0x0  }
0x24: {  	s3 =	sadd.s32 $0x88, s3;
	s6 =	simm.s32 @!p1 $0x1082;
	[sflag:s4] =	ssyncset.s32 $0xFFFFF086  }
0x25: {  	[simem:s6], [sflag:s4] =	dma.local [hbm:s3], $0xF7A  }
0x26: {  	[smem:$0x3F98] =	sst s1;
	(tag) =	ssettag s2;
	_ =	strace s9  }
0x27: {  	s1 =	sld [smem:$0x3FA8]  }
0x28: {  	s2 =	sld [smem:$0x3FA9]  }
0x29: {  	s4 =	sld [smem:$0x3FAB]  }
0x2a: {  	p0 =	seq.s32 s5, $0x0;
	s5 =	sld [smem:$0x3FAC]  }
0x2b: {  	s6 =	sld [smem:$0x3FAD]  }
0x2c: {  	s7 =	sld [smem:$0x3FAE]  }
0x2d: {  	s3 =	simm.s32 $0x108;
	s8 =	sld [smem:$0x3FAF]  }
0x2e: {  	s3 =	simm.s32 @!p0 $0x1082;
	s9 =	sld [smem:$0x3FB0]  }
0x2f: {  	lr =	sadd.s32 s0, s3;
	s0 =	sld [smem:$0x3FA7]  }
0x30: {  	s3 =	sld [smem:$0x3FAA]  }
0x31: {  	[smem:$0x3FB3] =	sst s10  }
0x32: {  	s10 =	sld [smem:$0x3FB1];
	_ =	sdelay $0x3  }
0x33: {  	p0 =	seq.s32 s10, $0x1;
	s10 =	sld [smem:$0x3FB3];
	_ =	sdelay $0x3  }
0x34: {  	[smem:$0x3FB3] =	sst s10  }
0x35: {  	s10 =	sld [smem:$0x3FB2];
	_ =	sdelay $0x3  }
0x36: {  	p1 =	seq.s32 s10, $0x1;
	s10 =	sld [smem:$0x3FB3];
	_ =	sdelay $0x3  }
0x37: {  	[smem:$0x3FB3] =	sst s10  }
0x38: {  	s10 =	sld [smem:$0x3FB4]  }
0x39: {  	_ = 	snop;
	(pc) =	sbr.ind lr, $3  }
0x3a: {  	_ = 	snop  }
0x3b: {  	_ = 	snop  }
0x3c: {  	p2 =	seq.s32 s10, $0x1;
	s10 =	sld [smem:$0x3FB3]  }
0x3d: {  	_ =	shalt  }
0x3e: {  	_ =	shalt  }
0x3f: {  	_ =	shalt  }
0x40: {  	_ =	shalt  }
0x41: {  	_ =	shalt  }
0x42: {  	_ =	shalt  }
0x43: {  	_ =	shalt  }
0x44: {  	_ =	shalt  }
0x45: {  	_ =	shalt  }
0x46: {  	_ =	shalt  }
0x47: {  	_ =	shalt  }
0x48: {  	_ =	shalt  }
0x49: {  	_ =	shalt  }
0x4a: {  	_ =	shalt  }
0x4b: {  	_ =	shalt  }
0x4c: {  	_ =	shalt  }
0x4d: {  	_ =	shalt  }
0x4e: {  	_ =	shalt  }
0x4f: {  	_ =	shalt  }
0x50: {  	_ =	shalt  }
0x51: {  	_ =	shalt  }
0x52: {  	_ =	shalt  }
0x53: {  	_ =	shalt  }
0x54: {  	_ =	shalt  }
0x55: {  	_ =	shalt  }
0x56: {  	_ =	shalt  }
0x57: {  	_ =	shalt  }
0x58: {  	_ =	shalt  }
0x59: {  	_ =	shalt  }
0x5a: {  	_ =	shalt  }
0x5b: {  	_ =	shalt  }
0x5c: {  	_ =	shalt  }
0x5d: {  	_ =	shalt  }
0x5e: {  	_ =	shalt  }
0x5f: {  	_ =	shalt  }
0x60: {  	_ =	shalt  }
0x61: {  	_ =	shalt  }
0x62: {  	_ =	shalt  }
0x63: {  	_ =	shalt  }
0x64: {  	_ =	shalt  }
0x65: {  	_ =	shalt  }
0x66: {  	_ =	shalt  }
0x67: {  	_ =	shalt  }
0x68: {  	_ =	shalt  }
0x69: {  	_ =	shalt  }
0x6a: {  	_ =	shalt  }
0x6b: {  	_ =	shalt  }
0x6c: {  	_ =	shalt  }
0x6d: {  	_ =	shalt  }
0x6e: {  	_ =	shalt  }
0x6f: {  	_ =	shalt  }
0x70: {  	_ =	shalt  }
0x71: {  	_ =	shalt  }
0x72: {  	_ =	shalt  }
0x73: {  	_ =	shalt  }
0x74: {  	_ =	shalt  }
0x75: {  	_ =	shalt  }
0x76: {  	_ =	shalt  }
0x77: {  	_ =	shalt  }
0x78: {  	_ =	shalt  }
0x79: {  	_ =	shalt  }
0x7a: {  	_ =	shalt  }
0x7b: {  	_ =	shalt  }
0x7c: {  	_ =	shalt  }
0x7d: {  	_ =	shalt  }
0x7e: {  	_ =	shalt  }
0x7f: {  	_ =	shalt  }
0x80: {  	_ =	shalt  }
0x81: {  	_ =	shalt  }
0x82: {  	_ =	shalt  }
0x83: {  	_ =	shalt  }
0x84: {  	_ =	shalt  }
0x85: {  	_ =	shalt  }
0x86: {  	_ =	shalt  }
0x87: {  	_ =	shalt  }
.Lfunc_end0:
.L_simem_size_0:
called_computation_lowered:
.L_overlay_start_0:
0x88: {  	s2 =	sld [smem:$0x3FD9]  }
0x89: {  	s3 =	sld [smem:$0x3FFE];
	_ =	sdelay $0x1  }
0x8a: {  	s1 =	srdreg.scid  }
0x8b: {  	s0 =	sand.u32 $0x1, s1  }
0x8c: {  	s16 =	sshll.u32 s0, $0xA;
	s2 =	sadd.s32 s3, s2  }
0x8d: {  	s2 =	sadd.s32 s2, s16  }
0x8e: {  	[smem:$0x3FBF] =	sst s2  }
0x8f: {  	_ = 	snop  }
0x90: {  	(tm) =	ssettm $0x1  }
0x91: {  	s17 =	sld [smem:$0x3FFB];
	_ =	sdelay $0x3  }
0x92: {  	_ =	strace s17  }
0x93: {  	s2 =	sld [smem:$0x3FFC];
	_ =	sdelay $0x3  }
0x94: {  	_ =	strace s2  }
0x95: {  	s2 =	sld [smem:$0x3FFD];
	_ =	sdelay $0x3  }
0x96: {  	_ =	strace s2  }
0x97: {  	_ =	strace $0x8FFFFFFF  }
0x98: {  	s18 =	sld [smem:$0x3FDB];
	_ =	sdelay $0x1  }
0x99: {  	s19 =	simm.s32 $_scs_section_size  }
0x9a: {  	s4 =	simm.s32 $_size__tile_overlayer_lowered;
	s5 =	simm.s32 $_tile_overlayer_lowered  }
0x9b: {  	s22 =	simm.s32 $0x1BFF;
	s21 =	sshll.u32 s5, $0x1;
	s2 =	sadd.s32 s19, s18  }
0x9c: {  	s6 =	simm.s32 $0x0;
	s20 =	sshll.u32 s4, $0x1;
	s4 =	sadd.s32 s21, s2  }
0x9d: {  	[timem:s6], [sflag:s22] =	dma.local [hbm:s4], s20  }
0x9e: {  	_ =	swait.ge [sflag:s22], s20  }
0x9f: {  	s3 =	ssub.s32 $0x0, s20;
	[sflag:s22] =	ssyncset.done $0x0  }
0xa0: {  	[sflag:s22] =	ssyncadd.s32 s3;
	_ =	sdelay $0x1  }
0xa1: {  	s23 =	simm.s32 $0x1B8B  }
0xa2: {  	_ =	swait.ge [sflag:s23], $0x1  }
0xa3: {  	[sflag:s23] =	ssyncset.done $0x0  }
0xa4: {  	s25 =	simm.s32 $0x1B8E;
	s24 =	sld [smem:$0x3FFE];
	[sflag:s23] =	ssyncadd.s32 $0xFFFFFFFF  }
0xa5: {  	s26 =	simm.s32 $execute0_lowered;
	[smem:$0x3FD2] =	sst s25  }
0xa6: {  	s4 =	sshll.u32 s26, $0x1;
	_ =	strace $0x80000046;
	[dreg:$0x1] =	wrdreg $0xFFFFFFFF  }
0xa7: {  	s28 =	simm.s32 $_size_execute0_lowered;
	s2 =	sadd.s32 s2, s4;
	[dreg:$0x0] =	wrdreg $0x0  }
0xa8: {  	s4 =	sshll.u32 s28, $0x1;
	[dreg:$0x2] =	wrdreg s2  }
0xa9: {  	[dreg:$0x3] =	wrdreg s4  }
0xaa: {  	[dreg:$0x4] =	wrdreg $0xC0  }
0xab: {  	_ =	task [dreg:s6], $0x5FFFF  }
0xac: {  	[dreg:$0x1] =	wrdreg $0xFFFFFFFF  }
0xad: {  	[dreg:$0x0] =	wrdreg $0x60  }
0xae: {  	[dreg:$0x2] =	wrdreg s24  }
0xaf: {  	[dreg:$0x3] =	wrdreg $0x2B000  }
0xb0: {  	[dreg:$0x4] =	wrdreg $0x9  }
0xb1: {  	_ =	task.clear_ibuf [dreg:s6], $0x5FFFF;
	_ =	strace $0x90000046  }
0xb2: {  	s29 =	simm.s32 $0x9;
	_ =	strace $0x80000048  }
0xb3: {  	_ =	swait.ge [sflag:s29], $0x1  }
0xb4: {  	[sflag:s29] =	ssyncadd.s32 $0xFFFFFFFF  }
0xb5: {  	_ =	strace $0x90000048  }
0xb6: {  	_ =	sfence  }
0xb7: {  	s30 =	sld [smem:$0x0];
	_ =	sdelay $0x2  }
0xb8: {  	s31 =	sshll.u32 s1, $0xD;
	s1 =	sshrl.u32 s1, $0x2  }
0xb9: {  	s3 =	sand.u32 $0x4000, s31;
	s1 =	sadd.s32 s1, s30  }
0xba: {  	s0 =	sor.u32 s3, s0;
	s1 =	sshll.u32 s1, $0x11  }
0xbb: {  	s0 =	sor.u32 s1, s0  }
0xbc: {  	s0 =	sadd.s32 $0x8F2B, s0  }
0xbd: {  	[sflag:s0] =	ssyncadd.remote.s32 $0x1  }
0xbe: {  	_ =	sfence.sel $0xFFFF  }
0xbf: {  	[dreg:$0x0] =	wrdreg $0xFFFFFFFF;
	(pc) =	sbr.abs _section_cstart, $3  }
0xc0: {  	[dreg:$0x1] =	wrdreg $0xFFFFFFFF  }
0xc1: {  	_ =	task.clear_ibuf [dreg:s6], $0x2FFFF;
	_ =	strace $0x9FFFFFFF  }
0xc2: {  	(tm) =	ssettm $0x7FFFFFFF  }
0xc3: {  	_ =	shalt  }
tec
execute0_lowered:
.L_overlay_start_1:
0x0: {  	(tag) =	ssettag $0x1  }
0x1: {  	s4 =	rddreg [dreg:$0x0];
	s0 =	srdreg.scid  }
0x2: {  	s2 =	rddreg [dreg:$0x1];
	s1 =	stileid.u32  }
0x3: {  	s3 =	simm.s32 $0x0;
	s10 =	simm.s32 $0x80;
	s11 =	simm.s32 $0x2800  }
0x4: {  	s14 =	simm.s32 $0x20;
	s15 =	simm.s32 $0x10;
	s16 =	simm.s32 $0x0  }
0x5: {  	s5 =	sand.u32 $0x1, s0;
	s0 =	rddreg [dreg:$0x2];
	s7 =	smul.u32 $0x500, s1  }
0x6: {  	[smem:$0x7FF] =	sst s3;
	s30 =	smul.u32 $0xA00, s1;
	s12 =	sshll.u32 s1, $0x6  }
0x7: {  	s6 =	sshll.u32 s5, $0x4;
	s8 =	sshll.u32 s5, $0x7;
	_ =	strace $0x80000047  }
0x8: {  	s5 =	ssub.s32 $0x2, s5;
	s12 =	sor.u32 $0x1C01, s12;
	s6 =	sor.u32 s1, s6  }
0x9: {  	s7 =	sor.u32 s8, s7;
	s31 =	sshrl.u32 s5, $0x1;
	s6 =	smul.u32 $0x500, s6  }
0xa: {  	s8 =	sshrl.u32 s30, $0x2;
	s7 =	sshrl.u32 s7, $0x3;
	s9 =	ssub.s32 s5, s31  }
0xb: {  	s7 =	sadd.s32 s7, s4;
	s6 =	sadd.s32 s6, s4;
	s4 =	sadd.s32 s8, s2  }
0xc: {  	s8 =	simm.s32 $0x2880;
	s5 =	sadd.s32 $0x2C00, s6;
	s6 =	sadd.s32 $0xCC00, s7  }
0xd: {  	v0 =	vimm.f32 $0.0e+00;
	v1 =	vimm.f32 $1.000000000e+00;
	s7 =	smax.u32 s9, $0x1;
	s9 =	simm.s32 $0x1;
	s13 =	sshrl.u32 s4, $0x3  }
.LBB2_1:
0xe: {  	[tilespmem:$0x2880] =	vst v0  }
0xf: {  	[tilespmem:$0x2890] =	vst v0  }
0x10: {  	[tilespmem:$0x28A0] =	vst v0  }
0x11: {  	[tilespmem:$0x28B0] =	vst v0  }
0x12: {  	[tilespmem:$0x28C0] =	vst v0  }
0x13: {  	[tilespmem:$0x28D0] =	vst v0  }
0x14: {  	[tilespmem:$0x28E0] =	vst v0  }
0x15: {  	[tilespmem:$0x28F0] =	vst v0  }
0x16: {  	[tilespmem:$0x2900] =	vst v0  }
0x17: {  	[tilespmem:$0x2910] =	vst v0  }
0x18: {  	[tilespmem:$0x2920] =	vst v0  }
0x19: {  	[tilespmem:$0x2930] =	vst v0  }
0x1a: {  	[tilespmem:$0x2940] =	vst v0  }
0x1b: {  	[tilespmem:$0x2950] =	vst v0  }
0x1c: {  	[tilespmem:$0x2960] =	vst v0  }
0x1d: {  	[tilespmem:$0x2970] =	vst v0  }
0x1e: {  	[tilespmem:$0x2980] =	vst v0  }
0x1f: {  	[tilespmem:$0x2990] =	vst v0  }
0x20: {  	[tilespmem:$0x29A0] =	vst v0  }
0x21: {  	[tilespmem:$0x29B0] =	vst v0  }
0x22: {  	[tilespmem:$0x29C0] =	vst v0  }
0x23: {  	[tilespmem:$0x29D0] =	vst v0  }
0x24: {  	[tilespmem:$0x29E0] =	vst v0  }
0x25: {  	[tilespmem:$0x29F0] =	vst v0  }
0x26: {  	[tilespmem:$0x2A00] =	vst v0  }
0x27: {  	[tilespmem:$0x2A10] =	vst v0  }
0x28: {  	[tilespmem:$0x2A20] =	vst v0  }
0x29: {  	[tilespmem:$0x2A30] =	vst v0  }
0x2a: {  	[tilespmem:$0x2A40] =	vst v0  }
0x2b: {  	[tilespmem:$0x2A50] =	vst v0  }
0x2c: {  	[tilespmem:$0x2A60] =	vst v0  }
0x2d: {  	[tilespmem:$0x2A70] =	vst v0  }
0x2e: {  	[tilespmem:$0x2A80] =	vst v0  }
0x2f: {  	[tilespmem:$0x2A90] =	vst v0  }
0x30: {  	[tilespmem:$0x2AA0] =	vst v0  }
0x31: {  	[tilespmem:$0x2AB0] =	vst v0  }
0x32: {  	[tilespmem:$0x2AC0] =	vst v0  }
0x33: {  	[tilespmem:$0x2AD0] =	vst v0  }
0x34: {  	[tilespmem:$0x2AE0] =	vst v0  }
0x35: {  	[tilespmem:$0x2AF0] =	vst v0  }
0x36: {  	[tilespmem:$0x2800] =	vst v1  }
0x37: {  	[tilespmem:$0x2810] =	vst v1  }
0x38: {  	[tilespmem:$0x2820] =	vst v1  }
0x39: {  	[tilespmem:$0x2830] =	vst v1  }
0x3a: {  	[tilespmem:$0x2840] =	vst v1  }
0x3b: {  	[tilespmem:$0x2850] =	vst v1  }
0x3c: {  	[tilespmem:$0x2860] =	vst v1  }
0x3d: {  	[tilespmem:$0x2870] =	vst v1  }
0x3e: {  	[spmem:s4] =	stream.linear.scatter [tilespmem:s8], [sflag:$0x1], $0x280, $0x38;
	[tilespmem:$0x2D80] =	vst v63  }
0x3f: {  	_ =	swait.ge [sflag:s9], $0x280  }
0x40: {  	[sflag:s9] =	ssyncset.done $0x0  }
0x41: {  	[sflag:s9] =	ssyncadd.s32 $0xFFFFFD80  }
0x42: {  	[bflag:$0x0] =	sbarrier.arrive $0xFFFF  }
0x43: {  	[tilespmem:s3], [sflag:$0x1] =	stream.linear.gather [hbm4b:s5+s3], $0x2800, $0x38;
	[tilespmem:$0x2D80] =	vst v63  }
0x44: {  	_ =	swait.ge [sflag:s9], $0x2800  }
0x45: {  	[sflag:s9] =	ssyncset.done $0x0  }
0x46: {  	s17 =	simm.s32 $0x0;
	[sflag:s9] =	ssyncadd.s32 $0xFFFFD800  }
0x47: {  	[spmem:s2] =	stream.indirect.scatter.add.f32 [tilespmem:s11], [sflag:$0x1], $0x1, s17, s10, $0xb8;
	[tilespmem:$0x2D80] =	vst v63  }
0x48: {  	_ =	swait.ge [sflag:s9], $0x80  }
0x49: {  	s17 =	simm.s32 $0x200;
	[sflag:s9] =	ssyncset.done $0x0  }
.LBB2_2:
0x4a: {  	s18 =	sshra.s32 s17, $0x2;
	[sflag:s9] =	ssyncadd.s32 $0xFFFFFF80;
	p0 =	sne.s32 s17, $0x9E00  }
0x4b: {  	[spmem:s2] =	stream.indirect.scatter.add.f32 [tilespmem:s11], [sflag:$0x1], $0x1, s18, s10, $0xb8;
	[tilespmem:$0x2D80] =	vst v63  }
.Ltmp0:
0x4c: {  	_ = 	snop;
	(pc) =	sbr.rel @p0 .LBB2_2-.Ltmp0, $4  }
0x4d: {  	_ = 	snop  }
0x4e: {  	s17 =	sadd.s32 $0x200, s17  }
0x4f: {  	_ =	swait.ge [sflag:s9], $0x80  }
0x50: {  	[sflag:s9] =	ssyncset.done $0x0  }
0x51: {  	s16 =	sadd.s32 $0x1, s16  }
0x52: {  	[sflag:s9] =	ssyncadd.s32 $0xFFFFFF80;
	p0 =	sne.s32 s16, s7  }
.Ltmp1:
0x53: {  	[bflag:$0x0] =	sbarrier.arrive $0xFFFF;
	(pc) =	sbr.rel @p0 .LBB2_1-.Ltmp1, $4  }
0x54: {  	[hbm:s6@s14], [sflag:s12] =	dma.strided [spmem:s13@s15], $0x50, s9, $0x10   }
0x55: {  	_ =	swait.ge [sflag:s9], $0x50  }
0x56: {  	[sflag:s9] =	ssyncset.done $0x0  }
0x57: {  	[sflag:s9] =	ssyncadd.s32 $0xFFFFFFB0  }
0x58: {  	_ =	sfence.sel $0x180000  }
0x59: {  	[bflag:$0x0] =	sbarrier.arrive $0xFFFF  }
0x5a: {  	p0 =	sne.s32 s1, $0x0;
	_ =	strace $0x90000047  }
0x5b: {  	s0 =	sadd.s32 @!p0 $0x100000, s0;
	[bflag:$0x2] =	sbarrier.arrive $0xFFFF  }
0x5c: {  	[sflag:s0] =	ssyncadd.tile.s32 @!p0 $0x1;
	_ =	shalt  }
.Lfunc_end2:
_tile_overlayer_lowered:
.L_overlay_start_2:
0x5d: {  	(tag) =	ssettag $0x2  }
0x5e: {  	s0 =	rddreg [dreg:$0x0];
	s2 =	stileid.u32  }
0x5f: {  	s1 =	rddreg [dreg:$0x1];
	p0 =	sne.s32 s2, $0x0  }
0x60: {  	s3 =	rddreg [dreg:$0x2];
	[bflag:$0x3] =	sbarrier.arrive $0xFFFF;
	s2 =	simm.s32 @!p0 $0x1C01  }
0x61: {  	[timem:s3], [sflag:s2] =	dma.local @!p0 [hbm:s0], s1  }
0x62: {  	s0 =	simm.s32 @!p0 $0x1  }
0x63: {  	_ =	swait.ge @!p0 [sflag:s0], s1  }
0x64: {  	s1 =	ssub.s32 @!p0 $0x0, s1;
	[sflag:s0] =	ssyncset.done @!p0 $0x0  }
0x65: {  	[sflag:s0] =	ssyncadd.s32 @!p0 s1  }
0x66: {  	[bflag:$0x3] =	sbarrier.arrive $0xFFFF  }
0x67: {  	_ =	shalt  }

</sc_bundles>
